<compile_context>
chip_gen: v7x
topology: tpu7x:2x2x1
jax: 0.10.2.dev20260603
libtpu: 0.0.44.dev20260713+nightly
codegen_flags: <defaults>
</compile_context>

<pallas_src>
import functools

import jax
import jax.numpy as jnp
from jax import lax
from jax.experimental import pallas as pl
from jax.experimental.pallas import tpu as pltpu
from jax.experimental.pallas import tpu_sc as plsc

N = 10000
E = 320000
HID = 100
W = 104
DEG_COL = 100

NC, NS = 2, 16
NW = NC * NS
B_E = 96
N_CH = 106
EPT = B_E * N_CH
E_PAD = EPT * NW
SHIFT = 14
MASK = (1 << SHIFT) - 1
N_PAD = 10112
ROWS_PT = N_PAD // NS

_mesh = plsc.VectorSubcoreMesh(core_axis_name="c", subcore_axis_name="s")


@functools.partial(
    pl.kernel,
    mesh=_mesh,
    compiler_params=pltpu.CompilerParams(use_tc_tiling_on_sc=False),
    out_type=jax.ShapeDtypeStruct((NC, N_PAD, W), jnp.float32),
    scratch_types=[
        pltpu.VMEM((EPT,), jnp.int32),
        pltpu.VMEM((2, B_E), jnp.int32),
        pltpu.VMEM((2, B_E), jnp.int32),
        pltpu.VMEM((2, B_E, W), jnp.float32),
        pltpu.VMEM_SHARED((N_PAD, W), jnp.float32),
        [pltpu.SemaphoreType.DMA] * 2,
    ],
)
def _sc_segment_sum(y_hbm, sd_hbm, zeros_hbm, out_hbm,
                    sd_v, src_v, dst_v, rows_v, acc_sh, sems):
    c = lax.axis_index("c")
    s = lax.axis_index("s")
    wid = s * NC + c

    pltpu.sync_copy(zeros_hbm.at[pl.ds(s * ROWS_PT, ROWS_PT)],
                    acc_sh.at[pl.ds(s * ROWS_PT, ROWS_PT)])
    pltpu.sync_copy(sd_hbm.at[wid], sd_v)
    plsc.subcore_barrier()

    def unpack(j, b):
        for k in range(B_E // 16):
            p = sd_v[pl.ds(j * B_E + k * 16, 16)]
            src_v[b, pl.ds(k * 16, 16)] = p >> SHIFT
            dst_v[b, pl.ds(k * 16, 16)] = p & MASK

    def start_gather(b):
        pltpu.async_copy(y_hbm.at[src_v.at[b]], rows_v.at[b], sems[b])

    def wait_buf(b):
        pltpu.make_async_copy(y_hbm.at[src_v.at[0]], rows_v.at[b],
                              sems[b]).wait()

    def scatter(b):
        pltpu.sync_copy(rows_v.at[b], acc_sh.at[dst_v.at[b]], add=True)

    def body(i, carry):
        unpack(i, 0)
        pltpu.async_copy(y_hbm.at[src_v.at[0]], rows_v.at[0], sems[0]).wait()
        scatter(0)
        return carry

    lax.fori_loop(0, N_CH, body, 0)

    plsc.subcore_barrier()
    pltpu.sync_copy(acc_sh.at[pl.ds(s * ROWS_PT, ROWS_PT)],
                    out_hbm.at[c, pl.ds(s * ROWS_PT, ROWS_PT)])


def _tc_pre1(x_ref, w1l_ref, w1r_ref, b1l_ref, y_ref, r_ref):
    x = x_ref[...]
    y = jnp.dot(x, w1l_ref[...], preferred_element_type=jnp.float32)
    ones = jnp.ones((x.shape[0], 1), jnp.float32)
    zpad = jnp.zeros((x.shape[0], W - HID - 1), jnp.float32)
    y_ref[...] = jnp.concatenate([y, ones, zpad], axis=1)
    r_ref[...] = (jnp.dot(x, w1r_ref[...], preferred_element_type=jnp.float32)
                  + b1l_ref[...])


def _tc_mid(p_ref, r1_ref, w2l_ref, w2r_ref, b2l_ref,
            y2_ref, r2_ref, deg_ref):
    p = p_ref[...]
    acc = p[0] + p[1]
    deg = jnp.maximum(acc[:, DEG_COL:DEG_COL + 1], 1.0)
    h = jnp.maximum(acc[:, :HID] / deg + r1_ref[...], 0.0)
    y2 = jnp.dot(h, w2l_ref[...], preferred_element_type=jnp.float32)
    zpad = jnp.zeros((h.shape[0], W - HID), jnp.float32)
    y2_ref[...] = jnp.concatenate([y2, zpad], axis=1)
    r2_ref[...] = (jnp.dot(h, w2r_ref[...], preferred_element_type=jnp.float32)
                   + b2l_ref[...])
    deg_ref[...] = deg


def _tc_post(p_ref, r2_ref, deg_ref, o_ref):
    p = p_ref[...]
    acc = p[0] + p[1]
    o_ref[...] = acc[:, :HID] / deg_ref[...] + r2_ref[...]


def kernel(x, ei, W1_l, b1_l, W1_r, W2_l, b2_l, W2_r):
    src = ei[0].astype(jnp.int32)
    dst = ei[1].astype(jnp.int32)
    pad = E_PAD - E
    sd = (src << SHIFT) | dst
    sd_p = jnp.concatenate(
        [sd, jnp.full((pad,), N, jnp.int32)]).reshape(NW, EPT)
    zeros = jnp.zeros((N_PAD, W), jnp.float32)

    y1, r1 = pl.pallas_call(
        _tc_pre1,
        out_shape=[
            jax.ShapeDtypeStruct((N, W), jnp.float32),
            jax.ShapeDtypeStruct((N, HID), jnp.float32),
        ],
    )(x, W1_l, W1_r, b1_l.reshape(1, HID))

    p1 = _sc_segment_sum(y1, sd_p, zeros)

    y2, r2, deg = pl.pallas_call(
        _tc_mid,
        out_shape=[
            jax.ShapeDtypeStruct((N, W), jnp.float32),
            jax.ShapeDtypeStruct((N, HID), jnp.float32),
            jax.ShapeDtypeStruct((N, 1), jnp.float32),
        ],
    )(p1[:, :N, :], r1, W2_l, W2_r, b2_l.reshape(1, HID))

    p2 = _sc_segment_sum(y2, sd_p, zeros)

    out = pl.pallas_call(
        _tc_post,
        out_shape=jax.ShapeDtypeStruct((N, HID), jnp.float32),
    )(p2[:, :N, :], r2, deg)
    return out

# --- scband reference (transcript-rebuilt; emitter-appended) ---
"""Pipeline reference for scband-graph-sage-80066780332145 (READ-ONLY COPY).

The authoritative reference and input builder live on the scoring server;
editing this copy changes nothing except your own understanding.
"""

import jax, jax.numpy as jnp
import numpy as np

N_NODES = 10000
N_EDGES = 320000
IN_CH = 128
HID_CH = 100

def setup_inputs(seed: int = 0) -> dict:
    key = jax.random.key(seed)
    ks = jax.random.split(key, 8)
    x = jax.random.normal(ks[0], (N_NODES, IN_CH), dtype=jnp.float32)
    ei = jax.random.randint(ks[1], (2, N_EDGES), 0, N_NODES, dtype=jnp.int64)
    # SAGEConv params: lin_l (applied to aggregated neighbors, with bias), lin_r (root weight, no bias)
    s1 = 1.0 / np.sqrt(IN_CH)
    s2 = 1.0 / np.sqrt(HID_CH)
    W1_l = jax.random.uniform(ks[2], (IN_CH, HID_CH), jnp.float32, -s1, s1)
    b1_l = jnp.zeros((HID_CH,), jnp.float32)
    W1_r = jax.random.uniform(ks[3], (IN_CH, HID_CH), jnp.float32, -s1, s1)
    W2_l = jax.random.uniform(ks[4], (HID_CH, HID_CH), jnp.float32, -s2, s2)
    b2_l = jnp.zeros((HID_CH,), jnp.float32)
    W2_r = jax.random.uniform(ks[5], (HID_CH, HID_CH), jnp.float32, -s2, s2)
    return {"x": x, "ei": ei, "W1_l": W1_l, "b1_l": b1_l, "W1_r": W1_r,
            "W2_l": W2_l, "b2_l": b2_l, "W2_r": W2_r}

def _sage_conv(x, src, dst, W_l, b_l, W_r):
    msg = jnp.take(x, src, axis=0)                                   # gather neighbor feats
    agg = jax.ops.segment_sum(msg, dst, num_segments=N_NODES)        # scatter-add by dst
    deg = jax.ops.segment_sum(jnp.ones((src.shape[0],), jnp.float32), dst, num_segments=N_NODES)
    mean = agg / jnp.clip(deg, 1.0, None)[:, None]                   # mean aggregation
    return mean @ W_l + b_l + x @ W_r

def reference(x, ei, W1_l, b1_l, W1_r, W2_l, b2_l, W2_r):
    src, dst = ei[0], ei[1]
    h = jax.nn.relu(_sage_conv(x, src, dst, W1_l, b1_l, W1_r))
    # dropout is identity in eval mode (training=False)
    h = _sage_conv(h, src, dst, W2_l, b2_l, W2_r)
    return h

if __name__ == "__main__":
    import jax
    _d = setup_inputs()
    print(jax.jit(kernel)(*tuple(_d.values())))

</pallas_src>

<mosaic_0001>
#map = affine_map<(d0, d1) -> (0, 0)>
#map1 = affine_map<(d0, d1) -> (0, 0, 0)>
module attributes {stable_mosaic.version = 14 : i64} {
  func.func @_sc_segment_sum(%arg0: i32, %arg1: i32, %arg2: memref<10000x104xf32, #tpu.memory_space<hbm>>, %arg3: memref<32x10176xi32, #tpu.memory_space<hbm>>, %arg4: memref<10112x104xf32, #tpu.memory_space<hbm>>, %arg5: memref<2x10112x104xf32, #tpu.memory_space<hbm>>, %arg6: memref<10176xi32, #tpu.memory_space<vmem>>, %arg7: memref<2x96xi32, #tpu.memory_space<vmem>>, %arg8: memref<2x96xi32, #tpu.memory_space<vmem>>, %arg9: memref<2x96x104xf32, #tpu.memory_space<vmem>>, %arg10: memref<10112x104xf32, #tpu.memory_space<vmem_shared>>, %arg11: memref<!tpu.dma_semaphore, #tpu.memory_space<semaphore_mem>>, %arg12: memref<!tpu.dma_semaphore, #tpu.memory_space<semaphore_mem>>) attributes {dimension_semantics = [#tpu.dimension_semantics<core_parallel>, #tpu.dimension_semantics<subcore_parallel>], iteration_bounds = array<i64: 2, 16>, scalar_prefetch = 0 : i64, scratch_operands = 7 : i64, tpu.core_type = #tpu.core_type<sc_vector_subcore>, window_params = [{transform_indices = #map}, {transform_indices = #map}, {transform_indices = #map}, {transform_indices = #map1}]} {
    %mul3A = arith.constant 2 : i32
    %mul3A_0 = arith.muli %arg1, %mul3A : i32
    %add3A = arith.addi %mul3A_0, %arg0 : i32
    %mul3A_1 = arith.constant 632 : i32
    %mul3A_2 = arith.muli %arg1, %mul3A_1 : i32
    %mul3A_3 = arith.constant 632 : i32
    %mul3A_4 = arith.muli %arg1, %mul3A_3 : i32
    "tpu.region"() ({
      %run_scoped3A = tpu.sem_alloc : memref<!tpu.dma_semaphore, #tpu.memory_space<semaphore_mem>>
      %dma_start3A = arith.constant 0 : i32
      %dma_start3A_15 = tpu.memref_slice %arg10[%mul3A_4, %dma_start3A] : memref<10112x104xf32, #tpu.memory_space<vmem_shared>> -> memref<632x104xf32, #tpu.memory_space<vmem_shared>>
      %dma_start3A_16 = arith.constant 0 : i32
      %dma_start3A_17 = tpu.memref_slice %arg4[%mul3A_2, %dma_start3A_16] : memref<10112x104xf32, #tpu.memory_space<hbm>> -> memref<632x104xf32, #tpu.memory_space<hbm>>
      tpu.enqueue_dma source(%dma_start3A_17 : memref<632x104xf32, #tpu.memory_space<hbm>>) target(%dma_start3A_15 : memref<632x104xf32, #tpu.memory_space<vmem_shared>>) target_semaphore(%run_scoped3A : memref<!tpu.dma_semaphore, #tpu.memory_space<semaphore_mem>>)
      %dma_wait3A = arith.constant 0 : i32
      %dma_wait3A_18 = tpu.memref_slice %arg10[%mul3A_4, %dma_wait3A] : memref<10112x104xf32, #tpu.memory_space<vmem_shared>> -> memref<632x104xf32, #tpu.memory_space<vmem_shared>>
      %dma_wait3A_19 = arith.constant 0 : i32
      %dma_wait3A_20 = tpu.memref_slice %arg4[%mul3A_2, %dma_wait3A_19] : memref<10112x104xf32, #tpu.memory_space<hbm>> -> memref<632x104xf32, #tpu.memory_space<hbm>>
      tpu.wait_dma2 semaphore(%run_scoped3A : memref<!tpu.dma_semaphore, #tpu.memory_space<semaphore_mem>>) src(%dma_wait3A_20 : memref<632x104xf32, #tpu.memory_space<hbm>>) dst(%dma_wait3A_18 : memref<632x104xf32, #tpu.memory_space<vmem_shared>>)
      tpu.yield
    }) : () -> ()
    "tpu.region"() ({
      %run_scoped3A = tpu.sem_alloc : memref<!tpu.dma_semaphore, #tpu.memory_space<semaphore_mem>>
      %dma_start3A = arith.constant 0 : i32
      %dma_start3A_15 = tpu.memref_slice %arg3[%add3A, %dma_start3A] : memref<32x10176xi32, #tpu.memory_space<hbm>> -> memref<1x10176xi32, #tpu.memory_space<hbm>>
      %dma_start3A_16 = tpu.memref_squeeze %dma_start3A_15 : memref<1x10176xi32, #tpu.memory_space<hbm>> -> memref<10176xi32, #tpu.memory_space<hbm>>
      %dma_start3A_17 = arith.constant 0 : i32
      %dma_start3A_18 = tpu.memref_slice %arg3[%add3A, %dma_start3A_17] : memref<32x10176xi32, #tpu.memory_space<hbm>> -> memref<1x10176xi32, #tpu.memory_space<hbm>>
      %dma_start3A_19 = tpu.memref_squeeze %dma_start3A_18 : memref<1x10176xi32, #tpu.memory_space<hbm>> -> memref<10176xi32, #tpu.memory_space<hbm>>
      tpu.enqueue_dma source(%dma_start3A_19 : memref<10176xi32, #tpu.memory_space<hbm>>) target(%arg6 : memref<10176xi32, #tpu.memory_space<vmem>>) target_semaphore(%run_scoped3A : memref<!tpu.dma_semaphore, #tpu.memory_space<semaphore_mem>>)
      %dma_wait3A = arith.constant 0 : i32
      %dma_wait3A_20 = tpu.memref_slice %arg3[%add3A, %dma_wait3A] : memref<32x10176xi32, #tpu.memory_space<hbm>> -> memref<1x10176xi32, #tpu.memory_space<hbm>>
      %dma_wait3A_21 = tpu.memref_squeeze %dma_wait3A_20 : memref<1x10176xi32, #tpu.memory_space<hbm>> -> memref<10176xi32, #tpu.memory_space<hbm>>
      %dma_wait3A_22 = arith.constant 0 : i32
      %dma_wait3A_23 = tpu.memref_slice %arg3[%add3A, %dma_wait3A_22] : memref<32x10176xi32, #tpu.memory_space<hbm>> -> memref<1x10176xi32, #tpu.memory_space<hbm>>
      %dma_wait3A_24 = tpu.memref_squeeze %dma_wait3A_23 : memref<1x10176xi32, #tpu.memory_space<hbm>> -> memref<10176xi32, #tpu.memory_space<hbm>>
      tpu.wait_dma2 semaphore(%run_scoped3A : memref<!tpu.dma_semaphore, #tpu.memory_space<semaphore_mem>>) src(%dma_wait3A_24 : memref<10176xi32, #tpu.memory_space<hbm>>) dst(%arg6 : memref<10176xi32, #tpu.memory_space<vmem>>)
      tpu.yield
    }) : () -> ()
    %barrier3A = arith.constant 0 : index
    tpu.barrier barrier_id(%barrier3A)
    %scan3A = arith.constant 0 : i32
    %scan3A_5 = arith.constant 0 : i32
    %scan3A_6 = arith.constant 106 : i32
    %scan3A_7 = arith.addi %scan3A_5, %scan3A_6 : i32
    %scan3A_8 = arith.constant 1 : i32
    scf.for %scan3A_15 = %scan3A_5 to %scan3A_7 step %scan3A_8  : i32 {
      %mul3A_16 = arith.constant 96 : i32
      %mul3A_17 = arith.muli %scan3A_15, %mul3A_16 : i32
      %add3A_18 = arith.constant 0 : i32
      %add3A_19 = arith.addi %mul3A_17, %add3A_18 : i32
      %get3A = arith.index_cast %add3A_19 : i32 to index
      %get3A_20 = tpu.vector_load %arg6[%get3A] {strides = array<i32>} : memref<10176xi32, #tpu.memory_space<vmem>>, vector<16xi32>,
      %get3A_21 = vector.shape_cast %get3A_20 : vector<16xi32> to vector<16xi32>
      %shift_right_arithmetic3A = arith.constant 14 : i32
      %shift_right_arithmetic3A_22 = vector.broadcast %shift_right_arithmetic3A : i32 to vector<16xi32>
      %shift_right_arithmetic3A_23 = arith.shrsi %get3A_21, %shift_right_arithmetic3A_22 : vector<16xi32>
      %swap3A = arith.constant 0 : i32
      %swap3A_24 = arith.index_cast %swap3A : i32 to index
      %swap3A_25 = arith.constant 0 : index
      %swap3A_26 = tpu.vector_load %arg7[%swap3A_24, %swap3A_25] {strides = array<i32>} : memref<2x96xi32, #tpu.memory_space<vmem>>, vector<1x16xi32>,
      %swap3A_27 = vector.shape_cast %swap3A_26 : vector<1x16xi32> to vector<16xi32>
      %swap3A_28 = vector.shape_cast %shift_right_arithmetic3A_23 : vector<16xi32> to vector<1x16xi32>
      tpu.vector_store %arg7[%swap3A_24, %swap3A_25], %swap3A_28 {strides = array<i32>} : memref<2x96xi32, #tpu.memory_space<vmem>>, vector<1x16xi32>,
      %and3A = arith.constant 16383 : i32
      %and3A_29 = vector.broadcast %and3A : i32 to vector<16xi32>
      %and3A_30 = arith.andi %get3A_21, %and3A_29 : vector<16xi32>
      %swap3A_31 = arith.constant 0 : i32
      %swap3A_32 = arith.index_cast %swap3A_31 : i32 to index
      %swap3A_33 = arith.constant 0 : index
      %swap3A_34 = tpu.vector_load %arg8[%swap3A_32, %swap3A_33] {strides = array<i32>} : memref<2x96xi32, #tpu.memory_space<vmem>>, vector<1x16xi32>,
      %swap3A_35 = vector.shape_cast %swap3A_34 : vector<1x16xi32> to vector<16xi32>
      %swap3A_36 = vector.shape_cast %and3A_30 : vector<16xi32> to vector<1x16xi32>
      tpu.vector_store %arg8[%swap3A_32, %swap3A_33], %swap3A_36 {strides = array<i32>} : memref<2x96xi32, #tpu.memory_space<vmem>>, vector<1x16xi32>,
      %mul3A_37 = arith.constant 96 : i32
      %mul3A_38 = arith.muli %scan3A_15, %mul3A_37 : i32
      %add3A_39 = arith.constant 16 : i32
      %add3A_40 = arith.addi %mul3A_38, %add3A_39 : i32
      %get3A_41 = arith.index_cast %add3A_40 : i32 to index
      %get3A_42 = tpu.vector_load %arg6[%get3A_41] {strides = array<i32>} : memref<10176xi32, #tpu.memory_space<vmem>>, vector<16xi32>,
      %get3A_43 = vector.shape_cast %get3A_42 : vector<16xi32> to vector<16xi32>
      %shift_right_arithmetic3A_44 = arith.constant 14 : i32
      %shift_right_arithmetic3A_45 = vector.broadcast %shift_right_arithmetic3A_44 : i32 to vector<16xi32>
      %shift_right_arithmetic3A_46 = arith.shrsi %get3A_43, %shift_right_arithmetic3A_45 : vector<16xi32>
      %swap3A_47 = arith.constant 0 : i32
      %swap3A_48 = arith.index_cast %swap3A_47 : i32 to index
      %swap3A_49 = arith.constant 16 : index
      %swap3A_50 = tpu.vector_load %arg7[%swap3A_48, %swap3A_49] {strides = array<i32>} : memref<2x96xi32, #tpu.memory_space<vmem>>, vector<1x16xi32>,
      %swap3A_51 = vector.shape_cast %swap3A_50 : vector<1x16xi32> to vector<16xi32>
      %swap3A_52 = vector.shape_cast %shift_right_arithmetic3A_46 : vector<16xi32> to vector<1x16xi32>
      tpu.vector_store %arg7[%swap3A_48, %swap3A_49], %swap3A_52 {strides = array<i32>} : memref<2x96xi32, #tpu.memory_space<vmem>>, vector<1x16xi32>,
      %and3A_53 = arith.constant 16383 : i32
      %and3A_54 = vector.broadcast %and3A_53 : i32 to vector<16xi32>
      %and3A_55 = arith.andi %get3A_43, %and3A_54 : vector<16xi32>
      %swap3A_56 = arith.constant 0 : i32
      %swap3A_57 = arith.index_cast %swap3A_56 : i32 to index
      %swap3A_58 = arith.constant 16 : index
      %swap3A_59 = tpu.vector_load %arg8[%swap3A_57, %swap3A_58] {strides = array<i32>} : memref<2x96xi32, #tpu.memory_space<vmem>>, vector<1x16xi32>,
      %swap3A_60 = vector.shape_cast %swap3A_59 : vector<1x16xi32> to vector<16xi32>
      %swap3A_61 = vector.shape_cast %and3A_55 : vector<16xi32> to vector<1x16xi32>
      tpu.vector_store %arg8[%swap3A_57, %swap3A_58], %swap3A_61 {strides = array<i32>} : memref<2x96xi32, #tpu.memory_space<vmem>>, vector<1x16xi32>,
      %mul3A_62 = arith.constant 96 : i32
      %mul3A_63 = arith.muli %scan3A_15, %mul3A_62 : i32
      %add3A_64 = arith.constant 32 : i32
      %add3A_65 = arith.addi %mul3A_63, %add3A_64 : i32
      %get3A_66 = arith.index_cast %add3A_65 : i32 to index
      %get3A_67 = tpu.vector_load %arg6[%get3A_66] {strides = array<i32>} : memref<10176xi32, #tpu.memory_space<vmem>>, vector<16xi32>,
      %get3A_68 = vector.shape_cast %get3A_67 : vector<16xi32> to vector<16xi32>
      %shift_right_arithmetic3A_69 = arith.constant 14 : i32
      %shift_right_arithmetic3A_70 = vector.broadcast %shift_right_arithmetic3A_69 : i32 to vector<16xi32>
      %shift_right_arithmetic3A_71 = arith.shrsi %get3A_68, %shift_right_arithmetic3A_70 : vector<16xi32>
      %swap3A_72 = arith.constant 0 : i32
      %swap3A_73 = arith.index_cast %swap3A_72 : i32 to index
      %swap3A_74 = arith.constant 32 : index
      %swap3A_75 = tpu.vector_load %arg7[%swap3A_73, %swap3A_74] {strides = array<i32>} : memref<2x96xi32, #tpu.memory_space<vmem>>, vector<1x16xi32>,
      %swap3A_76 = vector.shape_cast %swap3A_75 : vector<1x16xi32> to vector<16xi32>
      %swap3A_77 = vector.shape_cast %shift_right_arithmetic3A_71 : vector<16xi32> to vector<1x16xi32>
      tpu.vector_store %arg7[%swap3A_73, %swap3A_74], %swap3A_77 {strides = array<i32>} : memref<2x96xi32, #tpu.memory_space<vmem>>, vector<1x16xi32>,
      %and3A_78 = arith.constant 16383 : i32
      %and3A_79 = vector.broadcast %and3A_78 : i32 to vector<16xi32>
      %and3A_80 = arith.andi %get3A_68, %and3A_79 : vector<16xi32>
      %swap3A_81 = arith.constant 0 : i32
      %swap3A_82 = arith.index_cast %swap3A_81 : i32 to index
      %swap3A_83 = arith.constant 32 : index
      %swap3A_84 = tpu.vector_load %arg8[%swap3A_82, %swap3A_83] {strides = array<i32>} : memref<2x96xi32, #tpu.memory_space<vmem>>, vector<1x16xi32>,
      %swap3A_85 = vector.shape_cast %swap3A_84 : vector<1x16xi32> to vector<16xi32>
      %swap3A_86 = vector.shape_cast %and3A_80 : vector<16xi32> to vector<1x16xi32>
      tpu.vector_store %arg8[%swap3A_82, %swap3A_83], %swap3A_86 {strides = array<i32>} : memref<2x96xi32, #tpu.memory_space<vmem>>, vector<1x16xi32>,
      %mul3A_87 = arith.constant 96 : i32
      %mul3A_88 = arith.muli %scan3A_15, %mul3A_87 : i32
      %add3A_89 = arith.constant 48 : i32
      %add3A_90 = arith.addi %mul3A_88, %add3A_89 : i32
      %get3A_91 = arith.index_cast %add3A_90 : i32 to index
      %get3A_92 = tpu.vector_load %arg6[%get3A_91] {strides = array<i32>} : memref<10176xi32, #tpu.memory_space<vmem>>, vector<16xi32>,
      %get3A_93 = vector.shape_cast %get3A_92 : vector<16xi32> to vector<16xi32>
      %shift_right_arithmetic3A_94 = arith.constant 14 : i32
      %shift_right_arithmetic3A_95 = vector.broadcast %shift_right_arithmetic3A_94 : i32 to vector<16xi32>
      %shift_right_arithmetic3A_96 = arith.shrsi %get3A_93, %shift_right_arithmetic3A_95 : vector<16xi32>
      %swap3A_97 = arith.constant 0 : i32
      %swap3A_98 = arith.index_cast %swap3A_97 : i32 to index
      %swap3A_99 = arith.constant 48 : index
      %swap3A_100 = tpu.vector_load %arg7[%swap3A_98, %swap3A_99] {strides = array<i32>} : memref<2x96xi32, #tpu.memory_space<vmem>>, vector<1x16xi32>,
      %swap3A_101 = vector.shape_cast %swap3A_100 : vector<1x16xi32> to vector<16xi32>
      %swap3A_102 = vector.shape_cast %shift_right_arithmetic3A_96 : vector<16xi32> to vector<1x16xi32>
      tpu.vector_store %arg7[%swap3A_98, %swap3A_99], %swap3A_102 {strides = array<i32>} : memref<2x96xi32, #tpu.memory_space<vmem>>, vector<1x16xi32>,
      %and3A_103 = arith.constant 16383 : i32
      %and3A_104 = vector.broadcast %and3A_103 : i32 to vector<16xi32>
      %and3A_105 = arith.andi %get3A_93, %and3A_104 : vector<16xi32>
      %swap3A_106 = arith.constant 0 : i32
      %swap3A_107 = arith.index_cast %swap3A_106 : i32 to index
      %swap3A_108 = arith.constant 48 : index
      %swap3A_109 = tpu.vector_load %arg8[%swap3A_107, %swap3A_108] {strides = array<i32>} : memref<2x96xi32, #tpu.memory_space<vmem>>, vector<1x16xi32>,
      %swap3A_110 = vector.shape_cast %swap3A_109 : vector<1x16xi32> to vector<16xi32>
      %swap3A_111 = vector.shape_cast %and3A_105 : vector<16xi32> to vector<1x16xi32>
      tpu.vector_store %arg8[%swap3A_107, %swap3A_108], %swap3A_111 {strides = array<i32>} : memref<2x96xi32, #tpu.memory_space<vmem>>, vector<1x16xi32>,
      %mul3A_112 = arith.constant 96 : i32
      %mul3A_113 = arith.muli %scan3A_15, %mul3A_112 : i32
      %add3A_114 = arith.constant 64 : i32
      %add3A_115 = arith.addi %mul3A_113, %add3A_114 : i32
      %get3A_116 = arith.index_cast %add3A_115 : i32 to index
      %get3A_117 = tpu.vector_load %arg6[%get3A_116] {strides = array<i32>} : memref<10176xi32, #tpu.memory_space<vmem>>, vector<16xi32>,
      %get3A_118 = vector.shape_cast %get3A_117 : vector<16xi32> to vector<16xi32>
      %shift_right_arithmetic3A_119 = arith.constant 14 : i32
      %shift_right_arithmetic3A_120 = vector.broadcast %shift_right_arithmetic3A_119 : i32 to vector<16xi32>
      %shift_right_arithmetic3A_121 = arith.shrsi %get3A_118, %shift_right_arithmetic3A_120 : vector<16xi32>
      %swap3A_122 = arith.constant 0 : i32
      %swap3A_123 = arith.index_cast %swap3A_122 : i32 to index
      %swap3A_124 = arith.constant 64 : index
      %swap3A_125 = tpu.vector_load %arg7[%swap3A_123, %swap3A_124] {strides = array<i32>} : memref<2x96xi32, #tpu.memory_space<vmem>>, vector<1x16xi32>,
      %swap3A_126 = vector.shape_cast %swap3A_125 : vector<1x16xi32> to vector<16xi32>
      %swap3A_127 = vector.shape_cast %shift_right_arithmetic3A_121 : vector<16xi32> to vector<1x16xi32>
      tpu.vector_store %arg7[%swap3A_123, %swap3A_124], %swap3A_127 {strides = array<i32>} : memref<2x96xi32, #tpu.memory_space<vmem>>, vector<1x16xi32>,
      %and3A_128 = arith.constant 16383 : i32
      %and3A_129 = vector.broadcast %and3A_128 : i32 to vector<16xi32>
      %and3A_130 = arith.andi %get3A_118, %and3A_129 : vector<16xi32>
      %swap3A_131 = arith.constant 0 : i32
      %swap3A_132 = arith.index_cast %swap3A_131 : i32 to index
      %swap3A_133 = arith.constant 64 : index
      %swap3A_134 = tpu.vector_load %arg8[%swap3A_132, %swap3A_133] {strides = array<i32>} : memref<2x96xi32, #tpu.memory_space<vmem>>, vector<1x16xi32>,
      %swap3A_135 = vector.shape_cast %swap3A_134 : vector<1x16xi32> to vector<16xi32>
      %swap3A_136 = vector.shape_cast %and3A_130 : vector<16xi32> to vector<1x16xi32>
      tpu.vector_store %arg8[%swap3A_132, %swap3A_133], %swap3A_136 {strides = array<i32>} : memref<2x96xi32, #tpu.memory_space<vmem>>, vector<1x16xi32>,
      %mul3A_137 = arith.constant 96 : i32
      %mul3A_138 = arith.muli %scan3A_15, %mul3A_137 : i32
      %add3A_139 = arith.constant 80 : i32
      %add3A_140 = arith.addi %mul3A_138, %add3A_139 : i32
      %get3A_141 = arith.index_cast %add3A_140 : i32 to index
      %get3A_142 = tpu.vector_load %arg6[%get3A_141] {strides = array<i32>} : memref<10176xi32, #tpu.memory_space<vmem>>, vector<16xi32>,
      %get3A_143 = vector.shape_cast %get3A_142 : vector<16xi32> to vector<16xi32>
      %shift_right_arithmetic3A_144 = arith.constant 14 : i32
      %shift_right_arithmetic3A_145 = vector.broadcast %shift_right_arithmetic3A_144 : i32 to vector<16xi32>
      %shift_right_arithmetic3A_146 = arith.shrsi %get3A_143, %shift_right_arithmetic3A_145 : vector<16xi32>
      %swap3A_147 = arith.constant 0 : i32
      %swap3A_148 = arith.index_cast %swap3A_147 : i32 to index
      %swap3A_149 = arith.constant 80 : index
      %swap3A_150 = tpu.vector_load %arg7[%swap3A_148, %swap3A_149] {strides = array<i32>} : memref<2x96xi32, #tpu.memory_space<vmem>>, vector<1x16xi32>,
      %swap3A_151 = vector.shape_cast %swap3A_150 : vector<1x16xi32> to vector<16xi32>
      %swap3A_152 = vector.shape_cast %shift_right_arithmetic3A_146 : vector<16xi32> to vector<1x16xi32>
      tpu.vector_store %arg7[%swap3A_148, %swap3A_149], %swap3A_152 {strides = array<i32>} : memref<2x96xi32, #tpu.memory_space<vmem>>, vector<1x16xi32>,
      %and3A_153 = arith.constant 16383 : i32
      %and3A_154 = vector.broadcast %and3A_153 : i32 to vector<16xi32>
      %and3A_155 = arith.andi %get3A_143, %and3A_154 : vector<16xi32>
      %swap3A_156 = arith.constant 0 : i32
      %swap3A_157 = arith.index_cast %swap3A_156 : i32 to index
      %swap3A_158 = arith.constant 80 : index
      %swap3A_159 = tpu.vector_load %arg8[%swap3A_157, %swap3A_158] {strides = array<i32>} : memref<2x96xi32, #tpu.memory_space<vmem>>, vector<1x16xi32>,
      %swap3A_160 = vector.shape_cast %swap3A_159 : vector<1x16xi32> to vector<16xi32>
      %swap3A_161 = vector.shape_cast %and3A_155 : vector<16xi32> to vector<1x16xi32>
      tpu.vector_store %arg8[%swap3A_157, %swap3A_158], %swap3A_161 {strides = array<i32>} : memref<2x96xi32, #tpu.memory_space<vmem>>, vector<1x16xi32>,
      %dma_start3A = arith.constant 0 : i32
      %dma_start3A_162 = arith.constant 0 : i32
      %dma_start3A_163 = arith.constant 0 : i32
      %dma_start3A_164 = arith.constant 0 : i32
      %dma_start3A_165 = tpu.memref_slice %arg9[%dma_start3A_162, %dma_start3A_163, %dma_start3A_164] : memref<2x96x104xf32, #tpu.memory_space<vmem>> -> memref<1x96x104xf32, #tpu.memory_space<vmem>>
      %dma_start3A_166 = tpu.memref_squeeze %dma_start3A_165 : memref<1x96x104xf32, #tpu.memory_space<vmem>> -> memref<96x104xf32, #tpu.memory_space<vmem>>
      %dma_start3A_167 = arith.constant 0 : i32
      %dma_start3A_168 = tpu.memref_slice %arg7[%dma_start3A, %dma_start3A_167] : memref<2x96xi32, #tpu.memory_space<vmem>> -> memref<1x96xi32, #tpu.memory_space<vmem>>
      %dma_start3A_169 = tpu.memref_squeeze %dma_start3A_168 : memref<1x96xi32, #tpu.memory_space<vmem>> -> memref<96xi32, #tpu.memory_space<vmem>>
      %dma_start3A_170 = arith.constant 0 : i32
      %dma_start3A_171 = arith.constant 0 : i32
      %dma_start3A_172 = tpu.memref_slice %arg2[%dma_start3A_170, %dma_start3A_171] : memref<10000x104xf32, #tpu.memory_space<hbm>> -> memref<10000x104xf32, #tpu.memory_space<hbm>>
      tpu.enqueue_indirect_dma source(%dma_start3A_172 : memref<10000x104xf32, #tpu.memory_space<hbm>>) target(%dma_start3A_166 : memref<96x104xf32, #tpu.memory_space<vmem>>) offsets(%dma_start3A_169 : memref<96xi32, #tpu.memory_space<vmem>>) semaphore(%arg11 : memref<!tpu.dma_semaphore, #tpu.memory_space<semaphore_mem>>)
      %dma_wait3A = arith.constant 0 : i32
      %dma_wait3A_173 = arith.constant 0 : i32
      %dma_wait3A_174 = arith.constant 0 : i32
      %dma_wait3A_175 = arith.constant 0 : i32
      %dma_wait3A_176 = tpu.memref_slice %arg9[%dma_wait3A_173, %dma_wait3A_174, %dma_wait3A_175] : memref<2x96x104xf32, #tpu.memory_space<vmem>> -> memref<1x96x104xf32, #tpu.memory_space<vmem>>
      %dma_wait3A_177 = tpu.memref_squeeze %dma_wait3A_176 : memref<1x96x104xf32, #tpu.memory_space<vmem>> -> memref<96x104xf32, #tpu.memory_space<vmem>>
      %dma_wait3A_178 = arith.constant 0 : i32
      %dma_wait3A_179 = tpu.memref_slice %arg7[%dma_wait3A, %dma_wait3A_178] : memref<2x96xi32, #tpu.memory_space<vmem>> -> memref<1x96xi32, #tpu.memory_space<vmem>>
      %dma_wait3A_180 = tpu.memref_squeeze %dma_wait3A_179 : memref<1x96xi32, #tpu.memory_space<vmem>> -> memref<96xi32, #tpu.memory_space<vmem>>
      %dma_wait3A_181 = arith.constant 0 : i32
      %dma_wait3A_182 = arith.constant 0 : i32
      %dma_wait3A_183 = tpu.memref_slice %arg2[%dma_wait3A_181, %dma_wait3A_182] : memref<10000x104xf32, #tpu.memory_space<hbm>> -> memref<10000x104xf32, #tpu.memory_space<hbm>>
      tpu.wait_indirect_dma semaphore(%arg11 : memref<!tpu.dma_semaphore, #tpu.memory_space<semaphore_mem>>) src(%dma_wait3A_183 : memref<10000x104xf32, #tpu.memory_space<hbm>>) dst(%dma_wait3A_177 : memref<96x104xf32, #tpu.memory_space<vmem>>)
      %run_scoped3A = arith.constant 0 : i32
      %run_scoped3A_184 = arith.constant 0 : i32
      "tpu.region"() ({
        %run_scoped3A_185 = tpu.sem_alloc : memref<!tpu.dma_semaphore, #tpu.memory_space<semaphore_mem>>
        %dma_start3A_186 = arith.constant 0 : i32
        %dma_start3A_187 = arith.constant 0 : i32
        %dma_start3A_188 = tpu.memref_slice %arg9[%run_scoped3A, %dma_start3A_186, %dma_start3A_187] : memref<2x96x104xf32, #tpu.memory_space<vmem>> -> memref<1x96x104xf32, #tpu.memory_space<vmem>>
        %dma_start3A_189 = tpu.memref_squeeze %dma_start3A_188 : memref<1x96x104xf32, #tpu.memory_space<vmem>> -> memref<96x104xf32, #tpu.memory_space<vmem>>
        %dma_start3A_190 = arith.constant 0 : i32
        %dma_start3A_191 = tpu.memref_slice %arg8[%run_scoped3A_184, %dma_start3A_190] : memref<2x96xi32, #tpu.memory_space<vmem>> -> memref<1x96xi32, #tpu.memory_space<vmem>>
        %dma_start3A_192 = tpu.memref_squeeze %dma_start3A_191 : memref<1x96xi32, #tpu.memory_space<vmem>> -> memref<96xi32, #tpu.memory_space<vmem>>
        %dma_start3A_193 = arith.constant 0 : i32
        %dma_start3A_194 = arith.constant 0 : i32
        %dma_start3A_195 = tpu.memref_slice %arg10[%dma_start3A_193, %dma_start3A_194] : memref<10112x104xf32, #tpu.memory_space<vmem_shared>> -> memref<10112x104xf32, #tpu.memory_space<vmem_shared>>
        tpu.enqueue_indirect_dma source(%dma_start3A_189 : memref<96x104xf32, #tpu.memory_space<vmem>>) target(%dma_start3A_195 : memref<10112x104xf32, #tpu.memory_space<vmem_shared>>) offsets(%dma_start3A_192 : memref<96xi32, #tpu.memory_space<vmem>>) semaphore(%run_scoped3A_185 : memref<!tpu.dma_semaphore, #tpu.memory_space<semaphore_mem>>) {add = true}
        %dma_wait3A_196 = arith.constant 0 : i32
        %dma_wait3A_197 = arith.constant 0 : i32
        %dma_wait3A_198 = tpu.memref_slice %arg9[%run_scoped3A, %dma_wait3A_196, %dma_wait3A_197] : memref<2x96x104xf32, #tpu.memory_space<vmem>> -> memref<1x96x104xf32, #tpu.memory_space<vmem>>
        %dma_wait3A_199 = tpu.memref_squeeze %dma_wait3A_198 : memref<1x96x104xf32, #tpu.memory_space<vmem>> -> memref<96x104xf32, #tpu.memory_space<vmem>>
        %dma_wait3A_200 = arith.constant 0 : i32
        %dma_wait3A_201 = tpu.memref_slice %arg8[%run_scoped3A_184, %dma_wait3A_200] : memref<2x96xi32, #tpu.memory_space<vmem>> -> memref<1x96xi32, #tpu.memory_space<vmem>>
        %dma_wait3A_202 = tpu.memref_squeeze %dma_wait3A_201 : memref<1x96xi32, #tpu.memory_space<vmem>> -> memref<96xi32, #tpu.memory_space<vmem>>
        %dma_wait3A_203 = arith.constant 0 : i32
        %dma_wait3A_204 = arith.constant 0 : i32
        %dma_wait3A_205 = tpu.memref_slice %arg10[%dma_wait3A_203, %dma_wait3A_204] : memref<10112x104xf32, #tpu.memory_space<vmem_shared>> -> memref<10112x104xf32, #tpu.memory_space<vmem_shared>>
        tpu.wait_indirect_dma semaphore(%run_scoped3A_185 : memref<!tpu.dma_semaphore, #tpu.memory_space<semaphore_mem>>) src(%dma_wait3A_199 : memref<96x104xf32, #tpu.memory_space<vmem>>) dst(%dma_wait3A_205 : memref<10112x104xf32, #tpu.memory_space<vmem_shared>>)
        tpu.yield
      }) : () -> ()
    }
    %scan3A_9 = arith.constant 106 : i32
    %barrier3A_10 = arith.constant 0 : index
    tpu.barrier barrier_id(%barrier3A_10)
    %mul3A_11 = arith.constant 632 : i32
    %mul3A_12 = arith.muli %arg1, %mul3A_11 : i32
    %mul3A_13 = arith.constant 632 : i32
    %mul3A_14 = arith.muli %arg1, %mul3A_13 : i32
    "tpu.region"() ({
      %run_scoped3A = tpu.sem_alloc : memref<!tpu.dma_semaphore, #tpu.memory_space<semaphore_mem>>
      %dma_start3A = arith.constant 0 : i32
      %dma_start3A_15 = tpu.memref_slice %arg5[%arg0, %mul3A_14, %dma_start3A] : memref<2x10112x104xf32, #tpu.memory_space<hbm>> -> memref<1x632x104xf32, #tpu.memory_space<hbm>>
      %dma_start3A_16 = tpu.memref_squeeze %dma_start3A_15 : memref<1x632x104xf32, #tpu.memory_space<hbm>> -> memref<632x104xf32, #tpu.memory_space<hbm>>
      %dma_start3A_17 = arith.constant 0 : i32
      %dma_start3A_18 = tpu.memref_slice %arg10[%mul3A_12, %dma_start3A_17] : memref<10112x104xf32, #tpu.memory_space<vmem_shared>> -> memref<632x104xf32, #tpu.memory_space<vmem_shared>>
      tpu.enqueue_dma source(%dma_start3A_18 : memref<632x104xf32, #tpu.memory_space<vmem_shared>>) target(%dma_start3A_16 : memref<632x104xf32, #tpu.memory_space<hbm>>) target_semaphore(%run_scoped3A : memref<!tpu.dma_semaphore, #tpu.memory_space<semaphore_mem>>)
      %dma_wait3A = arith.constant 0 : i32
      %dma_wait3A_19 = tpu.memref_slice %arg5[%arg0, %mul3A_14, %dma_wait3A] : memref<2x10112x104xf32, #tpu.memory_space<hbm>> -> memref<1x632x104xf32, #tpu.memory_space<hbm>>
      %dma_wait3A_20 = tpu.memref_squeeze %dma_wait3A_19 : memref<1x632x104xf32, #tpu.memory_space<hbm>> -> memref<632x104xf32, #tpu.memory_space<hbm>>
      %dma_wait3A_21 = arith.constant 0 : i32
      %dma_wait3A_22 = tpu.memref_slice %arg10[%mul3A_12, %dma_wait3A_21] : memref<10112x104xf32, #tpu.memory_space<vmem_shared>> -> memref<632x104xf32, #tpu.memory_space<vmem_shared>>
      tpu.wait_dma2 semaphore(%run_scoped3A : memref<!tpu.dma_semaphore, #tpu.memory_space<semaphore_mem>>) src(%dma_wait3A_22 : memref<632x104xf32, #tpu.memory_space<vmem_shared>>) dst(%dma_wait3A_20 : memref<632x104xf32, #tpu.memory_space<hbm>>)
      tpu.yield
    }) : () -> ()
    return
  }
}

#map = affine_map<(d0, d1) -> (0, 0)>
#map1 = affine_map<(d0, d1) -> (0, 0, 0)>
module attributes {stable_mosaic.version = 14 : i64} {
  func.func @_sc_segment_sum(%arg0: i32, %arg1: i32, %arg2: memref<10000x104xf32, #tpu.memory_space<hbm>>, %arg3: memref<32x10176xi32, #tpu.memory_space<hbm>>, %arg4: memref<10112x104xf32, #tpu.memory_space<hbm>>, %arg5: memref<2x10112x104xf32, #tpu.memory_space<hbm>>, %arg6: memref<10176xi32, #tpu.memory_space<vmem>>, %arg7: memref<2x96xi32, #tpu.memory_space<vmem>>, %arg8: memref<2x96xi32, #tpu.memory_space<vmem>>, %arg9: memref<2x96x104xf32, #tpu.memory_space<vmem>>, %arg10: memref<10112x104xf32, #tpu.memory_space<vmem_shared>>, %arg11: memref<!tpu.dma_semaphore, #tpu.memory_space<semaphore_mem>>, %arg12: memref<!tpu.dma_semaphore, #tpu.memory_space<semaphore_mem>>) attributes {dimension_semantics = [#tpu.dimension_semantics<core_parallel>, #tpu.dimension_semantics<subcore_parallel>], iteration_bounds = array<i64: 2, 16>, scalar_prefetch = 0 : i64, scratch_operands = 7 : i64, tpu.core_type = #tpu.core_type<sc_vector_subcore>, window_params = [{transform_indices = #map}, {transform_indices = #map}, {transform_indices = #map}, {transform_indices = #map1}]} {
    %mul3A = arith.constant 2 : i32
    %mul3A_0 = arith.muli %arg1, %mul3A : i32
    %add3A = arith.addi %mul3A_0, %arg0 : i32
    %mul3A_1 = arith.constant 632 : i32
    %mul3A_2 = arith.muli %arg1, %mul3A_1 : i32
    %mul3A_3 = arith.constant 632 : i32
    %mul3A_4 = arith.muli %arg1, %mul3A_3 : i32
    "tpu.region"() ({
      %run_scoped3A = tpu.sem_alloc : memref<!tpu.dma_semaphore, #tpu.memory_space<semaphore_mem>>
      %dma_start3A = arith.constant 0 : i32
      %dma_start3A_15 = tpu.memref_slice %arg10[%mul3A_4, %dma_start3A] : memref<10112x104xf32, #tpu.memory_space<vmem_shared>> -> memref<632x104xf32, #tpu.memory_space<vmem_shared>>
      %dma_start3A_16 = arith.constant 0 : i32
      %dma_start3A_17 = tpu.memref_slice %arg4[%mul3A_2, %dma_start3A_16] : memref<10112x104xf32, #tpu.memory_space<hbm>> -> memref<632x104xf32, #tpu.memory_space<hbm>>
      tpu.enqueue_dma source(%dma_start3A_17 : memref<632x104xf32, #tpu.memory_space<hbm>>) target(%dma_start3A_15 : memref<632x104xf32, #tpu.memory_space<vmem_shared>>) target_semaphore(%run_scoped3A : memref<!tpu.dma_semaphore, #tpu.memory_space<semaphore_mem>>)
      %dma_wait3A = arith.constant 0 : i32
      %dma_wait3A_18 = tpu.memref_slice %arg10[%mul3A_4, %dma_wait3A] : memref<10112x104xf32, #tpu.memory_space<vmem_shared>> -> memref<632x104xf32, #tpu.memory_space<vmem_shared>>
      %dma_wait3A_19 = arith.constant 0 : i32
      %dma_wait3A_20 = tpu.memref_slice %arg4[%mul3A_2, %dma_wait3A_19] : memref<10112x104xf32, #tpu.memory_space<hbm>> -> memref<632x104xf32, #tpu.memory_space<hbm>>
      tpu.wait_dma2 semaphore(%run_scoped3A : memref<!tpu.dma_semaphore, #tpu.memory_space<semaphore_mem>>) src(%dma_wait3A_20 : memref<632x104xf32, #tpu.memory_space<hbm>>) dst(%dma_wait3A_18 : memref<632x104xf32, #tpu.memory_space<vmem_shared>>)
      tpu.yield
    }) : () -> ()
    "tpu.region"() ({
      %run_scoped3A = tpu.sem_alloc : memref<!tpu.dma_semaphore, #tpu.memory_space<semaphore_mem>>
      %dma_start3A = arith.constant 0 : i32
      %dma_start3A_15 = tpu.memref_slice %arg3[%add3A, %dma_start3A] : memref<32x10176xi32, #tpu.memory_space<hbm>> -> memref<1x10176xi32, #tpu.memory_space<hbm>>
      %dma_start3A_16 = tpu.memref_squeeze %dma_start3A_15 : memref<1x10176xi32, #tpu.memory_space<hbm>> -> memref<10176xi32, #tpu.memory_space<hbm>>
      %dma_start3A_17 = arith.constant 0 : i32
      %dma_start3A_18 = tpu.memref_slice %arg3[%add3A, %dma_start3A_17] : memref<32x10176xi32, #tpu.memory_space<hbm>> -> memref<1x10176xi32, #tpu.memory_space<hbm>>
      %dma_start3A_19 = tpu.memref_squeeze %dma_start3A_18 : memref<1x10176xi32, #tpu.memory_space<hbm>> -> memref<10176xi32, #tpu.memory_space<hbm>>
      tpu.enqueue_dma source(%dma_start3A_19 : memref<10176xi32, #tpu.memory_space<hbm>>) target(%arg6 : memref<10176xi32, #tpu.memory_space<vmem>>) target_semaphore(%run_scoped3A : memref<!tpu.dma_semaphore, #tpu.memory_space<semaphore_mem>>)
      %dma_wait3A = arith.constant 0 : i32
      %dma_wait3A_20 = tpu.memref_slice %arg3[%add3A, %dma_wait3A] : memref<32x10176xi32, #tpu.memory_space<hbm>> -> memref<1x10176xi32, #tpu.memory_space<hbm>>
      %dma_wait3A_21 = tpu.memref_squeeze %dma_wait3A_20 : memref<1x10176xi32, #tpu.memory_space<hbm>> -> memref<10176xi32, #tpu.memory_space<hbm>>
      %dma_wait3A_22 = arith.constant 0 : i32
      %dma_wait3A_23 = tpu.memref_slice %arg3[%add3A, %dma_wait3A_22] : memref<32x10176xi32, #tpu.memory_space<hbm>> -> memref<1x10176xi32, #tpu.memory_space<hbm>>
      %dma_wait3A_24 = tpu.memref_squeeze %dma_wait3A_23 : memref<1x10176xi32, #tpu.memory_space<hbm>> -> memref<10176xi32, #tpu.memory_space<hbm>>
      tpu.wait_dma2 semaphore(%run_scoped3A : memref<!tpu.dma_semaphore, #tpu.memory_space<semaphore_mem>>) src(%dma_wait3A_24 : memref<10176xi32, #tpu.memory_space<hbm>>) dst(%arg6 : memref<10176xi32, #tpu.memory_space<vmem>>)
      tpu.yield
    }) : () -> ()
    %barrier3A = arith.constant 0 : index
    tpu.barrier barrier_id(%barrier3A)
    %scan3A = arith.constant 0 : i32
    %scan3A_5 = arith.constant 0 : i32
    %scan3A_6 = arith.constant 106 : i32
    %scan3A_7 = arith.addi %scan3A_5, %scan3A_6 : i32
    %scan3A_8 = arith.constant 1 : i32
    scf.for %scan3A_15 = %scan3A_5 to %scan3A_7 step %scan3A_8  : i32 {
      %mul3A_16 = arith.constant 96 : i32
      %mul3A_17 = arith.muli %scan3A_15, %mul3A_16 : i32
      %add3A_18 = arith.constant 0 : i32
      %add3A_19 = arith.addi %mul3A_17, %add3A_18 : i32
      %get3A = arith.index_cast %add3A_19 : i32 to index
      %get3A_20 = tpu.vector_load %arg6[%get3A] {strides = array<i32>} : memref<10176xi32, #tpu.memory_space<vmem>>, vector<16xi32>,
      %get3A_21 = vector.shape_cast %get3A_20 : vector<16xi32> to vector<16xi32>
      %shift_right_arithmetic3A = arith.constant 14 : i32
      %shift_right_arithmetic3A_22 = vector.broadcast %shift_right_arithmetic3A : i32 to vector<16xi32>
      %shift_right_arithmetic3A_23 = arith.shrsi %get3A_21, %shift_right_arithmetic3A_22 : vector<16xi32>
      %swap3A = arith.constant 0 : i32
      %swap3A_24 = arith.index_cast %swap3A : i32 to index
      %swap3A_25 = arith.constant 0 : index
      %swap3A_26 = tpu.vector_load %arg7[%swap3A_24, %swap3A_25] {strides = array<i32>} : memref<2x96xi32, #tpu.memory_space<vmem>>, vector<1x16xi32>,
      %swap3A_27 = vector.shape_cast %swap3A_26 : vector<1x16xi32> to vector<16xi32>
      %swap3A_28 = vector.shape_cast %shift_right_arithmetic3A_23 : vector<16xi32> to vector<1x16xi32>
      tpu.vector_store %arg7[%swap3A_24, %swap3A_25], %swap3A_28 {strides = array<i32>} : memref<2x96xi32, #tpu.memory_space<vmem>>, vector<1x16xi32>,
      %and3A = arith.constant 16383 : i32
      %and3A_29 = vector.broadcast %and3A : i32 to vector<16xi32>
      %and3A_30 = arith.andi %get3A_21, %and3A_29 : vector<16xi32>
      %swap3A_31 = arith.constant 0 : i32
      %swap3A_32 = arith.index_cast %swap3A_31 : i32 to index
      %swap3A_33 = arith.constant 0 : index
      %swap3A_34 = tpu.vector_load %arg8[%swap3A_32, %swap3A_33] {strides = array<i32>} : memref<2x96xi32, #tpu.memory_space<vmem>>, vector<1x16xi32>,
      %swap3A_35 = vector.shape_cast %swap3A_34 : vector<1x16xi32> to vector<16xi32>
      %swap3A_36 = vector.shape_cast %and3A_30 : vector<16xi32> to vector<1x16xi32>
      tpu.vector_store %arg8[%swap3A_32, %swap3A_33], %swap3A_36 {strides = array<i32>} : memref<2x96xi32, #tpu.memory_space<vmem>>, vector<1x16xi32>,
      %mul3A_37 = arith.constant 96 : i32
      %mul3A_38 = arith.muli %scan3A_15, %mul3A_37 : i32
      %add3A_39 = arith.constant 16 : i32
      %add3A_40 = arith.addi %mul3A_38, %add3A_39 : i32
      %get3A_41 = arith.index_cast %add3A_40 : i32 to index
      %get3A_42 = tpu.vector_load %arg6[%get3A_41] {strides = array<i32>} : memref<10176xi32, #tpu.memory_space<vmem>>, vector<16xi32>,
      %get3A_43 = vector.shape_cast %get3A_42 : vector<16xi32> to vector<16xi32>
      %shift_right_arithmetic3A_44 = arith.constant 14 : i32
      %shift_right_arithmetic3A_45 = vector.broadcast %shift_right_arithmetic3A_44 : i32 to vector<16xi32>
      %shift_right_arithmetic3A_46 = arith.shrsi %get3A_43, %shift_right_arithmetic3A_45 : vector<16xi32>
      %swap3A_47 = arith.constant 0 : i32
      %swap3A_48 = arith.index_cast %swap3A_47 : i32 to index
      %swap3A_49 = arith.constant 16 : index
      %swap3A_50 = tpu.vector_load %arg7[%swap3A_48, %swap3A_49] {strides = array<i32>} : memref<2x96xi32, #tpu.memory_space<vmem>>, vector<1x16xi32>,
      %swap3A_51 = vector.shape_cast %swap3A_50 : vector<1x16xi32> to vector<16xi32>
      %swap3A_52 = vector.shape_cast %shift_right_arithmetic3A_46 : vector<16xi32> to vector<1x16xi32>
      tpu.vector_store %arg7[%swap3A_48, %swap3A_49], %swap3A_52 {strides = array<i32>} : memref<2x96xi32, #tpu.memory_space<vmem>>, vector<1x16xi32>,
      %and3A_53 = arith.constant 16383 : i32
      %and3A_54 = vector.broadcast %and3A_53 : i32 to vector<16xi32>
      %and3A_55 = arith.andi %get3A_43, %and3A_54 : vector<16xi32>
      %swap3A_56 = arith.constant 0 : i32
      %swap3A_57 = arith.index_cast %swap3A_56 : i32 to index
      %swap3A_58 = arith.constant 16 : index
      %swap3A_59 = tpu.vector_load %arg8[%swap3A_57, %swap3A_58] {strides = array<i32>} : memref<2x96xi32, #tpu.memory_space<vmem>>, vector<1x16xi32>,
      %swap3A_60 = vector.shape_cast %swap3A_59 : vector<1x16xi32> to vector<16xi32>
      %swap3A_61 = vector.shape_cast %and3A_55 : vector<16xi32> to vector<1x16xi32>
      tpu.vector_store %arg8[%swap3A_57, %swap3A_58], %swap3A_61 {strides = array<i32>} : memref<2x96xi32, #tpu.memory_space<vmem>>, vector<1x16xi32>,
      %mul3A_62 = arith.constant 96 : i32
      %mul3A_63 = arith.muli %scan3A_15, %mul3A_62 : i32
      %add3A_64 = arith.constant 32 : i32
      %add3A_65 = arith.addi %mul3A_63, %add3A_64 : i32
      %get3A_66 = arith.index_cast %add3A_65 : i32 to index
      %get3A_67 = tpu.vector_load %arg6[%get3A_66] {strides = array<i32>} : memref<10176xi32, #tpu.memory_space<vmem>>, vector<16xi32>,
      %get3A_68 = vector.shape_cast %get3A_67 : vector<16xi32> to vector<16xi32>
      %shift_right_arithmetic3A_69 = arith.constant 14 : i32
      %shift_right_arithmetic3A_70 = vector.broadcast %shift_right_arithmetic3A_69 : i32 to vector<16xi32>
      %shift_right_arithmetic3A_71 = arith.shrsi %get3A_68, %shift_right_arithmetic3A_70 : vector<16xi32>
      %swap3A_72 = arith.constant 0 : i32
      %swap3A_73 = arith.index_cast %swap3A_72 : i32 to index
      %swap3A_74 = arith.constant 32 : index
      %swap3A_75 = tpu.vector_load %arg7[%swap3A_73, %swap3A_74] {strides = array<i32>} : memref<2x96xi32, #tpu.memory_space<vmem>>, vector<1x16xi32>,
      %swap3A_76 = vector.shape_cast %swap3A_75 : vector<1x16xi32> to vector<16xi32>
      %swap3A_77 = vector.shape_cast %shift_right_arithmetic3A_71 : vector<16xi32> to vector<1x16xi32>
      tpu.vector_store %arg7[%swap3A_73, %swap3A_74], %swap3A_77 {strides = array<i32>} : memref<2x96xi32, #tpu.memory_space<vmem>>, vector<1x16xi32>,
      %and3A_78 = arith.constant 16383 : i32
      %and3A_79 = vector.broadcast %and3A_78 : i32 to vector<16xi32>
      %and3A_80 = arith.andi %get3A_68, %and3A_79 : vector<16xi32>
      %swap3A_81 = arith.constant 0 : i32
      %swap3A_82 = arith.index_cast %swap3A_81 : i32 to index
      %swap3A_83 = arith.constant 32 : index
      %swap3A_84 = tpu.vector_load %arg8[%swap3A_82, %swap3A_83] {strides = array<i32>} : memref<2x96xi32, #tpu.memory_space<vmem>>, vector<1x16xi32>,
      %swap3A_85 = vector.shape_cast %swap3A_84 : vector<1x16xi32> to vector<16xi32>
      %swap3A_86 = vector.shape_cast %and3A_80 : vector<16xi32> to vector<1x16xi32>
      tpu.vector_store %arg8[%swap3A_82, %swap3A_83], %swap3A_86 {strides = array<i32>} : memref<2x96xi32, #tpu.memory_space<vmem>>, vector<1x16xi32>,
      %mul3A_87 = arith.constant 96 : i32
      %mul3A_88 = arith.muli %scan3A_15, %mul3A_87 : i32
      %add3A_89 = arith.constant 48 : i32
      %add3A_90 = arith.addi %mul3A_88, %add3A_89 : i32
      %get3A_91 = arith.index_cast %add3A_90 : i32 to index
      %get3A_92 = tpu.vector_load %arg6[%get3A_91] {strides = array<i32>} : memref<10176xi32, #tpu.memory_space<vmem>>, vector<16xi32>,
      %get3A_93 = vector.shape_cast %get3A_92 : vector<16xi32> to vector<16xi32>
      %shift_right_arithmetic3A_94 = arith.constant 14 : i32
      %shift_right_arithmetic3A_95 = vector.broadcast %shift_right_arithmetic3A_94 : i32 to vector<16xi32>
      %shift_right_arithmetic3A_96 = arith.shrsi %get3A_93, %shift_right_arithmetic3A_95 : vector<16xi32>
      %swap3A_97 = arith.constant 0 : i32
      %swap3A_98 = arith.index_cast %swap3A_97 : i32 to index
      %swap3A_99 = arith.constant 48 : index
      %swap3A_100 = tpu.vector_load %arg7[%swap3A_98, %swap3A_99] {strides = array<i32>} : memref<2x96xi32, #tpu.memory_space<vmem>>, vector<1x16xi32>,
      %swap3A_101 = vector.shape_cast %swap3A_100 : vector<1x16xi32> to vector<16xi32>
      %swap3A_102 = vector.shape_cast %shift_right_arithmetic3A_96 : vector<16xi32> to vector<1x16xi32>
      tpu.vector_store %arg7[%swap3A_98, %swap3A_99], %swap3A_102 {strides = array<i32>} : memref<2x96xi32, #tpu.memory_space<vmem>>, vector<1x16xi32>,
      %and3A_103 = arith.constant 16383 : i32
      %and3A_104 = vector.broadcast %and3A_103 : i32 to vector<16xi32>
      %and3A_105 = arith.andi %get3A_93, %and3A_104 : vector<16xi32>
      %swap3A_106 = arith.constant 0 : i32
      %swap3A_107 = arith.index_cast %swap3A_106 : i32 to index
      %swap3A_108 = arith.constant 48 : index
      %swap3A_109 = tpu.vector_load %arg8[%swap3A_107, %swap3A_108] {strides = array<i32>} : memref<2x96xi32, #tpu.memory_space<vmem>>, vector<1x16xi32>,
      %swap3A_110 = vector.shape_cast %swap3A_109 : vector<1x16xi32> to vector<16xi32>
      %swap3A_111 = vector.shape_cast %and3A_105 : vector<16xi32> to vector<1x16xi32>
      tpu.vector_store %arg8[%swap3A_107, %swap3A_108], %swap3A_111 {strides = array<i32>} : memref<2x96xi32, #tpu.memory_space<vmem>>, vector<1x16xi32>,
      %mul3A_112 = arith.constant 96 : i32
      %mul3A_113 = arith.muli %scan3A_15, %mul3A_112 : i32
      %add3A_114 = arith.constant 64 : i32
      %add3A_115 = arith.addi %mul3A_113, %add3A_114 : i32
      %get3A_116 = arith.index_cast %add3A_115 : i32 to index
      %get3A_117 = tpu.vector_load %arg6[%get3A_116] {strides = array<i32>} : memref<10176xi32, #tpu.memory_space<vmem>>, vector<16xi32>,
      %get3A_118 = vector.shape_cast %get3A_117 : vector<16xi32> to vector<16xi32>
      %shift_right_arithmetic3A_119 = arith.constant 14 : i32
      %shift_right_arithmetic3A_120 = vector.broadcast %shift_right_arithmetic3A_119 : i32 to vector<16xi32>
      %shift_right_arithmetic3A_121 = arith.shrsi %get3A_118, %shift_right_arithmetic3A_120 : vector<16xi32>
      %swap3A_122 = arith.constant 0 : i32
      %swap3A_123 = arith.index_cast %swap3A_122 : i32 to index
      %swap3A_124 = arith.constant 64 : index
      %swap3A_125 = tpu.vector_load %arg7[%swap3A_123, %swap3A_124] {strides = array<i32>} : memref<2x96xi32, #tpu.memory_space<vmem>>, vector<1x16xi32>,
      %swap3A_126 = vector.shape_cast %swap3A_125 : vector<1x16xi32> to vector<16xi32>
      %swap3A_127 = vector.shape_cast %shift_right_arithmetic3A_121 : vector<16xi32> to vector<1x16xi32>
      tpu.vector_store %arg7[%swap3A_123, %swap3A_124], %swap3A_127 {strides = array<i32>} : memref<2x96xi32, #tpu.memory_space<vmem>>, vector<1x16xi32>,
      %and3A_128 = arith.constant 16383 : i32
      %and3A_129 = vector.broadcast %and3A_128 : i32 to vector<16xi32>
      %and3A_130 = arith.andi %get3A_118, %and3A_129 : vector<16xi32>
      %swap3A_131 = arith.constant 0 : i32
      %swap3A_132 = arith.index_cast %swap3A_131 : i32 to index
      %swap3A_133 = arith.constant 64 : index
      %swap3A_134 = tpu.vector_load %arg8[%swap3A_132, %swap3A_133] {strides = array<i32>} : memref<2x96xi32, #tpu.memory_space<vmem>>, vector<1x16xi32>,
      %swap3A_135 = vector.shape_cast %swap3A_134 : vector<1x16xi32> to vector<16xi32>
      %swap3A_136 = vector.shape_cast %and3A_130 : vector<16xi32> to vector<1x16xi32>
      tpu.vector_store %arg8[%swap3A_132, %swap3A_133], %swap3A_136 {strides = array<i32>} : memref<2x96xi32, #tpu.memory_space<vmem>>, vector<1x16xi32>,
      %mul3A_137 = arith.constant 96 : i32
      %mul3A_138 = arith.muli %scan3A_15, %mul3A_137 : i32
      %add3A_139 = arith.constant 80 : i32
      %add3A_140 = arith.addi %mul3A_138, %add3A_139 : i32
      %get3A_141 = arith.index_cast %add3A_140 : i32 to index
      %get3A_142 = tpu.vector_load %arg6[%get3A_141] {strides = array<i32>} : memref<10176xi32, #tpu.memory_space<vmem>>, vector<16xi32>,
      %get3A_143 = vector.shape_cast %get3A_142 : vector<16xi32> to vector<16xi32>
      %shift_right_arithmetic3A_144 = arith.constant 14 : i32
      %shift_right_arithmetic3A_145 = vector.broadcast %shift_right_arithmetic3A_144 : i32 to vector<16xi32>
      %shift_right_arithmetic3A_146 = arith.shrsi %get3A_143, %shift_right_arithmetic3A_145 : vector<16xi32>
      %swap3A_147 = arith.constant 0 : i32
      %swap3A_148 = arith.index_cast %swap3A_147 : i32 to index
      %swap3A_149 = arith.constant 80 : index
      %swap3A_150 = tpu.vector_load %arg7[%swap3A_148, %swap3A_149] {strides = array<i32>} : memref<2x96xi32, #tpu.memory_space<vmem>>, vector<1x16xi32>,
      %swap3A_151 = vector.shape_cast %swap3A_150 : vector<1x16xi32> to vector<16xi32>
      %swap3A_152 = vector.shape_cast %shift_right_arithmetic3A_146 : vector<16xi32> to vector<1x16xi32>
      tpu.vector_store %arg7[%swap3A_148, %swap3A_149], %swap3A_152 {strides = array<i32>} : memref<2x96xi32, #tpu.memory_space<vmem>>, vector<1x16xi32>,
      %and3A_153 = arith.constant 16383 : i32
      %and3A_154 = vector.broadcast %and3A_153 : i32 to vector<16xi32>
      %and3A_155 = arith.andi %get3A_143, %and3A_154 : vector<16xi32>
      %swap3A_156 = arith.constant 0 : i32
      %swap3A_157 = arith.index_cast %swap3A_156 : i32 to index
      %swap3A_158 = arith.constant 80 : index
      %swap3A_159 = tpu.vector_load %arg8[%swap3A_157, %swap3A_158] {strides = array<i32>} : memref<2x96xi32, #tpu.memory_space<vmem>>, vector<1x16xi32>,
      %swap3A_160 = vector.shape_cast %swap3A_159 : vector<1x16xi32> to vector<16xi32>
      %swap3A_161 = vector.shape_cast %and3A_155 : vector<16xi32> to vector<1x16xi32>
      tpu.vector_store %arg8[%swap3A_157, %swap3A_158], %swap3A_161 {strides = array<i32>} : memref<2x96xi32, #tpu.memory_space<vmem>>, vector<1x16xi32>,
      %dma_start3A = arith.constant 0 : i32
      %dma_start3A_162 = arith.constant 0 : i32
      %dma_start3A_163 = arith.constant 0 : i32
      %dma_start3A_164 = arith.constant 0 : i32
      %dma_start3A_165 = tpu.memref_slice %arg9[%dma_start3A_162, %dma_start3A_163, %dma_start3A_164] : memref<2x96x104xf32, #tpu.memory_space<vmem>> -> memref<1x96x104xf32, #tpu.memory_space<vmem>>
      %dma_start3A_166 = tpu.memref_squeeze %dma_start3A_165 : memref<1x96x104xf32, #tpu.memory_space<vmem>> -> memref<96x104xf32, #tpu.memory_space<vmem>>
      %dma_start3A_167 = arith.constant 0 : i32
      %dma_start3A_168 = tpu.memref_slice %arg7[%dma_start3A, %dma_start3A_167] : memref<2x96xi32, #tpu.memory_space<vmem>> -> memref<1x96xi32, #tpu.memory_space<vmem>>
      %dma_start3A_169 = tpu.memref_squeeze %dma_start3A_168 : memref<1x96xi32, #tpu.memory_space<vmem>> -> memref<96xi32, #tpu.memory_space<vmem>>
      %dma_start3A_170 = arith.constant 0 : i32
      %dma_start3A_171 = arith.constant 0 : i32
      %dma_start3A_172 = tpu.memref_slice %arg2[%dma_start3A_170, %dma_start3A_171] : memref<10000x104xf32, #tpu.memory_space<hbm>> -> memref<10000x104xf32, #tpu.memory_space<hbm>>
      tpu.enqueue_indirect_dma source(%dma_start3A_172 : memref<10000x104xf32, #tpu.memory_space<hbm>>) target(%dma_start3A_166 : memref<96x104xf32, #tpu.memory_space<vmem>>) offsets(%dma_start3A_169 : memref<96xi32, #tpu.memory_space<vmem>>) semaphore(%arg11 : memref<!tpu.dma_semaphore, #tpu.memory_space<semaphore_mem>>)
      %dma_wait3A = arith.constant 0 : i32
      %dma_wait3A_173 = arith.constant 0 : i32
      %dma_wait3A_174 = arith.constant 0 : i32
      %dma_wait3A_175 = arith.constant 0 : i32
      %dma_wait3A_176 = tpu.memref_slice %arg9[%dma_wait3A_173, %dma_wait3A_174, %dma_wait3A_175] : memref<2x96x104xf32, #tpu.memory_space<vmem>> -> memref<1x96x104xf32, #tpu.memory_space<vmem>>
      %dma_wait3A_177 = tpu.memref_squeeze %dma_wait3A_176 : memref<1x96x104xf32, #tpu.memory_space<vmem>> -> memref<96x104xf32, #tpu.memory_space<vmem>>
      %dma_wait3A_178 = arith.constant 0 : i32
      %dma_wait3A_179 = tpu.memref_slice %arg7[%dma_wait3A, %dma_wait3A_178] : memref<2x96xi32, #tpu.memory_space<vmem>> -> memref<1x96xi32, #tpu.memory_space<vmem>>
      %dma_wait3A_180 = tpu.memref_squeeze %dma_wait3A_179 : memref<1x96xi32, #tpu.memory_space<vmem>> -> memref<96xi32, #tpu.memory_space<vmem>>
      %dma_wait3A_181 = arith.constant 0 : i32
      %dma_wait3A_182 = arith.constant 0 : i32
      %dma_wait3A_183 = tpu.memref_slice %arg2[%dma_wait3A_181, %dma_wait3A_182] : memref<10000x104xf32, #tpu.memory_space<hbm>> -> memref<10000x104xf32, #tpu.memory_space<hbm>>
      tpu.wait_indirect_dma semaphore(%arg11 : memref<!tpu.dma_semaphore, #tpu.memory_space<semaphore_mem>>) src(%dma_wait3A_183 : memref<10000x104xf32, #tpu.memory_space<hbm>>) dst(%dma_wait3A_177 : memref<96x104xf32, #tpu.memory_space<vmem>>)
      %run_scoped3A = arith.constant 0 : i32
      %run_scoped3A_184 = arith.constant 0 : i32
      "tpu.region"() ({
        %run_scoped3A_185 = tpu.sem_alloc : memref<!tpu.dma_semaphore, #tpu.memory_space<semaphore_mem>>
        %dma_start3A_186 = arith.constant 0 : i32
        %dma_start3A_187 = arith.constant 0 : i32
        %dma_start3A_188 = tpu.memref_slice %arg9[%run_scoped3A, %dma_start3A_186, %dma_start3A_187] : memref<2x96x104xf32, #tpu.memory_space<vmem>> -> memref<1x96x104xf32, #tpu.memory_space<vmem>>
        %dma_start3A_189 = tpu.memref_squeeze %dma_start3A_188 : memref<1x96x104xf32, #tpu.memory_space<vmem>> -> memref<96x104xf32, #tpu.memory_space<vmem>>
        %dma_start3A_190 = arith.constant 0 : i32
        %dma_start3A_191 = tpu.memref_slice %arg8[%run_scoped3A_184, %dma_start3A_190] : memref<2x96xi32, #tpu.memory_space<vmem>> -> memref<1x96xi32, #tpu.memory_space<vmem>>
        %dma_start3A_192 = tpu.memref_squeeze %dma_start3A_191 : memref<1x96xi32, #tpu.memory_space<vmem>> -> memref<96xi32, #tpu.memory_space<vmem>>
        %dma_start3A_193 = arith.constant 0 : i32
        %dma_start3A_194 = arith.constant 0 : i32
        %dma_start3A_195 = tpu.memref_slice %arg10[%dma_start3A_193, %dma_start3A_194] : memref<10112x104xf32, #tpu.memory_space<vmem_shared>> -> memref<10112x104xf32, #tpu.memory_space<vmem_shared>>
        tpu.enqueue_indirect_dma source(%dma_start3A_189 : memref<96x104xf32, #tpu.memory_space<vmem>>) target(%dma_start3A_195 : memref<10112x104xf32, #tpu.memory_space<vmem_shared>>) offsets(%dma_start3A_192 : memref<96xi32, #tpu.memory_space<vmem>>) semaphore(%run_scoped3A_185 : memref<!tpu.dma_semaphore, #tpu.memory_space<semaphore_mem>>) {add = true}
        %dma_wait3A_196 = arith.constant 0 : i32
        %dma_wait3A_197 = arith.constant 0 : i32
        %dma_wait3A_198 = tpu.memref_slice %arg9[%run_scoped3A, %dma_wait3A_196, %dma_wait3A_197] : memref<2x96x104xf32, #tpu.memory_space<vmem>> -> memref<1x96x104xf32, #tpu.memory_space<vmem>>
        %dma_wait3A_199 = tpu.memref_squeeze %dma_wait3A_198 : memref<1x96x104xf32, #tpu.memory_space<vmem>> -> memref<96x104xf32, #tpu.memory_space<vmem>>
        %dma_wait3A_200 = arith.constant 0 : i32
        %dma_wait3A_201 = tpu.memref_slice %arg8[%run_scoped3A_184, %dma_wait3A_200] : memref<2x96xi32, #tpu.memory_space<vmem>> -> memref<1x96xi32, #tpu.memory_space<vmem>>
        %dma_wait3A_202 = tpu.memref_squeeze %dma_wait3A_201 : memref<1x96xi32, #tpu.memory_space<vmem>> -> memref<96xi32, #tpu.memory_space<vmem>>
        %dma_wait3A_203 = arith.constant 0 : i32
        %dma_wait3A_204 = arith.constant 0 : i32
        %dma_wait3A_205 = tpu.memref_slice %arg10[%dma_wait3A_203, %dma_wait3A_204] : memref<10112x104xf32, #tpu.memory_space<vmem_shared>> -> memref<10112x104xf32, #tpu.memory_space<vmem_shared>>
        tpu.wait_indirect_dma semaphore(%run_scoped3A_185 : memref<!tpu.dma_semaphore, #tpu.memory_space<semaphore_mem>>) src(%dma_wait3A_199 : memref<96x104xf32, #tpu.memory_space<vmem>>) dst(%dma_wait3A_205 : memref<10112x104xf32, #tpu.memory_space<vmem_shared>>)
        tpu.yield
      }) : () -> ()
    }
    %scan3A_9 = arith.constant 106 : i32
    %barrier3A_10 = arith.constant 0 : index
    tpu.barrier barrier_id(%barrier3A_10)
    %mul3A_11 = arith.constant 632 : i32
    %mul3A_12 = arith.muli %arg1, %mul3A_11 : i32
    %mul3A_13 = arith.constant 632 : i32
    %mul3A_14 = arith.muli %arg1, %mul3A_13 : i32
    "tpu.region"() ({
      %run_scoped3A = tpu.sem_alloc : memref<!tpu.dma_semaphore, #tpu.memory_space<semaphore_mem>>
      %dma_start3A = arith.constant 0 : i32
      %dma_start3A_15 = tpu.memref_slice %arg5[%arg0, %mul3A_14, %dma_start3A] : memref<2x10112x104xf32, #tpu.memory_space<hbm>> -> memref<1x632x104xf32, #tpu.memory_space<hbm>>
      %dma_start3A_16 = tpu.memref_squeeze %dma_start3A_15 : memref<1x632x104xf32, #tpu.memory_space<hbm>> -> memref<632x104xf32, #tpu.memory_space<hbm>>
      %dma_start3A_17 = arith.constant 0 : i32
      %dma_start3A_18 = tpu.memref_slice %arg10[%mul3A_12, %dma_start3A_17] : memref<10112x104xf32, #tpu.memory_space<vmem_shared>> -> memref<632x104xf32, #tpu.memory_space<vmem_shared>>
      tpu.enqueue_dma source(%dma_start3A_18 : memref<632x104xf32, #tpu.memory_space<vmem_shared>>) target(%dma_start3A_16 : memref<632x104xf32, #tpu.memory_space<hbm>>) target_semaphore(%run_scoped3A : memref<!tpu.dma_semaphore, #tpu.memory_space<semaphore_mem>>)
      %dma_wait3A = arith.constant 0 : i32
      %dma_wait3A_19 = tpu.memref_slice %arg5[%arg0, %mul3A_14, %dma_wait3A] : memref<2x10112x104xf32, #tpu.memory_space<hbm>> -> memref<1x632x104xf32, #tpu.memory_space<hbm>>
      %dma_wait3A_20 = tpu.memref_squeeze %dma_wait3A_19 : memref<1x632x104xf32, #tpu.memory_space<hbm>> -> memref<632x104xf32, #tpu.memory_space<hbm>>
      %dma_wait3A_21 = arith.constant 0 : i32
      %dma_wait3A_22 = tpu.memref_slice %arg10[%mul3A_12, %dma_wait3A_21] : memref<10112x104xf32, #tpu.memory_space<vmem_shared>> -> memref<632x104xf32, #tpu.memory_space<vmem_shared>>
      tpu.wait_dma2 semaphore(%run_scoped3A : memref<!tpu.dma_semaphore, #tpu.memory_space<semaphore_mem>>) src(%dma_wait3A_22 : memref<632x104xf32, #tpu.memory_space<vmem_shared>>) dst(%dma_wait3A_20 : memref<632x104xf32, #tpu.memory_space<hbm>>)
      tpu.yield
    }) : () -> ()
    return
  }
}

module attributes {stable_mosaic.version = 14 : i64} {
  func.func @_tc_pre1(%arg0: memref<10000x128xf32, #tpu.memory_space<vmem>>, %arg1: memref<128x100xf32, #tpu.memory_space<vmem>>, %arg2: memref<128x100xf32, #tpu.memory_space<vmem>>, %arg3: memref<1x100xf32, #tpu.memory_space<vmem>>, %arg4: memref<10000x104xf32, #tpu.memory_space<vmem>>, %arg5: memref<10000x100xf32, #tpu.memory_space<vmem>>) attributes {dimension_semantics = [], scalar_prefetch = 0 : i64, scratch_operands = 0 : i64, tpu.core_type = #tpu.core_type<tc>} {
    %get3A = arith.constant 0 : index
    %get3A_0 = arith.constant 0 : index
    %get3A_1 = vector.load %arg0[%get3A, %get3A_0] : memref<10000x128xf32, #tpu.memory_space<vmem>>, vector<10000x128xf32>
    %get3A_2 = arith.constant 0 : index
    %get3A_3 = arith.constant 0 : index
    %get3A_4 = vector.load %arg1[%get3A_2, %get3A_3] : memref<128x100xf32, #tpu.memory_space<vmem>>, vector<128x100xf32>
    %dot_general3A = arith.constant dense<0.000000e+00> : vector<10000x100xf32>
    %dot_general3A_5 = tpu.matmul %get3A_1, %get3A_4, %dot_general3A {dimension_numbers = #tpu.dot_dimension_numbers<[1], [0], [0], [1], [0, 0, 1, 1], [], []>, transpose_lhs_hint = false} : vector<10000x128xf32>, vector<128x100xf32>, vector<10000x100xf32> -> vector<10000x100xf32>
    %broadcast_in_dim3A = arith.constant 1.000000e+00 : f32
    %broadcast_in_dim3A_6 = vector.broadcast %broadcast_in_dim3A : f32 to vector<10000x1xf32>
    %broadcast_in_dim3A_7 = arith.constant 0.000000e+00 : f32
    %broadcast_in_dim3A_8 = vector.broadcast %broadcast_in_dim3A_7 : f32 to vector<10000x3xf32>
    %concatenate3A = tpu.concatenate %dot_general3A_5, %broadcast_in_dim3A_6, %broadcast_in_dim3A_8 in 1 : vector<10000x100xf32>, vector<10000x1xf32>, vector<10000x3xf32> -> vector<10000x104xf32>
    %swap3A = arith.constant 0 : index
    %swap3A_9 = arith.constant 0 : index
    %swap3A_10 = vector.load %arg4[%swap3A, %swap3A_9] : memref<10000x104xf32, #tpu.memory_space<vmem>>, vector<10000x104xf32>
    tpu.vector_store %arg4[%swap3A, %swap3A_9], %concatenate3A {strides = array<i32>} : memref<10000x104xf32, #tpu.memory_space<vmem>>, vector<10000x104xf32>,
    %get3A_11 = arith.constant 0 : index
    %get3A_12 = arith.constant 0 : index
    %get3A_13 = vector.load %arg2[%get3A_11, %get3A_12] : memref<128x100xf32, #tpu.memory_space<vmem>>, vector<128x100xf32>
    %dot_general3A_14 = arith.constant dense<0.000000e+00> : vector<10000x100xf32>
    %dot_general3A_15 = tpu.matmul %get3A_1, %get3A_13, %dot_general3A_14 {dimension_numbers = #tpu.dot_dimension_numbers<[1], [0], [0], [1], [0, 0, 1, 1], [], []>, transpose_lhs_hint = false} : vector<10000x128xf32>, vector<128x100xf32>, vector<10000x100xf32> -> vector<10000x100xf32>
    %get3A_16 = arith.constant 0 : index
    %get3A_17 = arith.constant 0 : index
    %get3A_18 = vector.load %arg3[%get3A_16, %get3A_17] : memref<1x100xf32, #tpu.memory_space<vmem>>, vector<1x100xf32>
    %add3A = vector.broadcast %get3A_18 : vector<1x100xf32> to vector<10000x100xf32>
    %add3A_19 = arith.addf %dot_general3A_15, %add3A : vector<10000x100xf32>
    %swap3A_20 = arith.constant 0 : index
    %swap3A_21 = arith.constant 0 : index
    %swap3A_22 = vector.load %arg5[%swap3A_20, %swap3A_21] : memref<10000x100xf32, #tpu.memory_space<vmem>>, vector<10000x100xf32>
    tpu.vector_store %arg5[%swap3A_20, %swap3A_21], %add3A_19 {strides = array<i32>} : memref<10000x100xf32, #tpu.memory_space<vmem>>, vector<10000x100xf32>,
    return
  }
}

module attributes {stable_mosaic.version = 14 : i64} {
  func.func @_tc_mid(%arg0: memref<2x10000x104xf32, #tpu.memory_space<vmem>>, %arg1: memref<10000x100xf32, #tpu.memory_space<vmem>>, %arg2: memref<100x100xf32, #tpu.memory_space<vmem>>, %arg3: memref<100x100xf32, #tpu.memory_space<vmem>>, %arg4: memref<1x100xf32, #tpu.memory_space<vmem>>, %arg5: memref<10000x104xf32, #tpu.memory_space<vmem>>, %arg6: memref<10000x100xf32, #tpu.memory_space<vmem>>, %arg7: memref<10000x1xf32, #tpu.memory_space<vmem>>) attributes {dimension_semantics = [], scalar_prefetch = 0 : i64, scratch_operands = 0 : i64, tpu.core_type = #tpu.core_type<tc>} {
    %get3A = arith.constant 0 : index
    %get3A_0 = arith.constant 0 : index
    %get3A_1 = arith.constant 0 : index
    %get3A_2 = vector.load %arg0[%get3A, %get3A_0, %get3A_1] : memref<2x10000x104xf32, #tpu.memory_space<vmem>>, vector<2x10000x104xf32>
    %slice3A = vector.extract_strided_slice %get3A_2 {offsets = [0, 0, 0], sizes = [1, 10000, 104], strides = [1, 1, 1]} : vector<2x10000x104xf32> to vector<1x10000x104xf32>
    %squeeze3A = vector.shape_cast %slice3A : vector<1x10000x104xf32> to vector<10000x104xf32>
    %slice3A_3 = vector.extract_strided_slice %get3A_2 {offsets = [1, 0, 0], sizes = [1, 10000, 104], strides = [1, 1, 1]} : vector<2x10000x104xf32> to vector<1x10000x104xf32>
    %squeeze3A_4 = vector.shape_cast %slice3A_3 : vector<1x10000x104xf32> to vector<10000x104xf32>
    %add3A = arith.addf %squeeze3A, %squeeze3A_4 : vector<10000x104xf32>
    %slice3A_5 = vector.extract_strided_slice %add3A {offsets = [0, 100], sizes = [10000, 1], strides = [1, 1]} : vector<10000x104xf32> to vector<10000x1xf32>
    %max3A = arith.constant 1.000000e+00 : f32
    %max3A_6 = vector.broadcast %max3A : f32 to vector<10000x1xf32>
    %max3A_7 = arith.maximumf %slice3A_5, %max3A_6 : vector<10000x1xf32>
    %slice3A_8 = vector.extract_strided_slice %add3A {offsets = [0, 0], sizes = [10000, 100], strides = [1, 1]} : vector<10000x104xf32> to vector<10000x100xf32>
    %div3A = vector.broadcast %max3A_7 : vector<10000x1xf32> to vector<10000x100xf32>
    %div3A_9 = arith.divf %slice3A_8, %div3A : vector<10000x100xf32>
    %get3A_10 = arith.constant 0 : index
    %get3A_11 = arith.constant 0 : index
    %get3A_12 = vector.load %arg1[%get3A_10, %get3A_11] : memref<10000x100xf32, #tpu.memory_space<vmem>>, vector<10000x100xf32>
    %add3A_13 = arith.addf %div3A_9, %get3A_12 : vector<10000x100xf32>
    %max3A_14 = arith.constant 0.000000e+00 : f32
    %max3A_15 = vector.broadcast %max3A_14 : f32 to vector<10000x100xf32>
    %max3A_16 = arith.maximumf %add3A_13, %max3A_15 : vector<10000x100xf32>
    %get3A_17 = arith.constant 0 : index
    %get3A_18 = arith.constant 0 : index
    %get3A_19 = vector.load %arg2[%get3A_17, %get3A_18] : memref<100x100xf32, #tpu.memory_space<vmem>>, vector<100x100xf32>
    %dot_general3A = arith.constant dense<0.000000e+00> : vector<10000x100xf32>
    %dot_general3A_20 = tpu.matmul %max3A_16, %get3A_19, %dot_general3A {dimension_numbers = #tpu.dot_dimension_numbers<[1], [0], [0], [1], [0, 0, 1, 1], [], []>, transpose_lhs_hint = false} : vector<10000x100xf32>, vector<100x100xf32>, vector<10000x100xf32> -> vector<10000x100xf32>
    %broadcast_in_dim3A = arith.constant 0.000000e+00 : f32
    %broadcast_in_dim3A_21 = vector.broadcast %broadcast_in_dim3A : f32 to vector<10000x4xf32>
    %concatenate3A = tpu.concatenate %dot_general3A_20, %broadcast_in_dim3A_21 in 1 : vector<10000x100xf32>, vector<10000x4xf32> -> vector<10000x104xf32>
    %swap3A = arith.constant 0 : index
    %swap3A_22 = arith.constant 0 : index
    %swap3A_23 = vector.load %arg5[%swap3A, %swap3A_22] : memref<10000x104xf32, #tpu.memory_space<vmem>>, vector<10000x104xf32>
    tpu.vector_store %arg5[%swap3A, %swap3A_22], %concatenate3A {strides = array<i32>} : memref<10000x104xf32, #tpu.memory_space<vmem>>, vector<10000x104xf32>,
    %get3A_24 = arith.constant 0 : index
    %get3A_25 = arith.constant 0 : index
    %get3A_26 = vector.load %arg3[%get3A_24, %get3A_25] : memref<100x100xf32, #tpu.memory_space<vmem>>, vector<100x100xf32>
    %dot_general3A_27 = arith.constant dense<0.000000e+00> : vector<10000x100xf32>
    %dot_general3A_28 = tpu.matmul %max3A_16, %get3A_26, %dot_general3A_27 {dimension_numbers = #tpu.dot_dimension_numbers<[1], [0], [0], [1], [0, 0, 1, 1], [], []>, transpose_lhs_hint = false} : vector<10000x100xf32>, vector<100x100xf32>, vector<10000x100xf32> -> vector<10000x100xf32>
    %get3A_29 = arith.constant 0 : index
    %get3A_30 = arith.constant 0 : index
    %get3A_31 = vector.load %arg4[%get3A_29, %get3A_30] : memref<1x100xf32, #tpu.memory_space<vmem>>, vector<1x100xf32>
    %add3A_32 = vector.broadcast %get3A_31 : vector<1x100xf32> to vector<10000x100xf32>
    %add3A_33 = arith.addf %dot_general3A_28, %add3A_32 : vector<10000x100xf32>
    %swap3A_34 = arith.constant 0 : index
    %swap3A_35 = arith.constant 0 : index
    %swap3A_36 = vector.load %arg6[%swap3A_34, %swap3A_35] : memref<10000x100xf32, #tpu.memory_space<vmem>>, vector<10000x100xf32>
    tpu.vector_store %arg6[%swap3A_34, %swap3A_35], %add3A_33 {strides = array<i32>} : memref<10000x100xf32, #tpu.memory_space<vmem>>, vector<10000x100xf32>,
    %swap3A_37 = arith.constant 0 : index
    %swap3A_38 = arith.constant 0 : index
    %swap3A_39 = vector.load %arg7[%swap3A_37, %swap3A_38] : memref<10000x1xf32, #tpu.memory_space<vmem>>, vector<10000x1xf32>
    tpu.vector_store %arg7[%swap3A_37, %swap3A_38], %max3A_7 {strides = array<i32>} : memref<10000x1xf32, #tpu.memory_space<vmem>>, vector<10000x1xf32>,
    return
  }
}

module attributes {stable_mosaic.version = 14 : i64} {
  func.func @_tc_post(%arg0: memref<2x10000x104xf32, #tpu.memory_space<vmem>>, %arg1: memref<10000x100xf32, #tpu.memory_space<vmem>>, %arg2: memref<10000x1xf32, #tpu.memory_space<vmem>>, %arg3: memref<10000x100xf32, #tpu.memory_space<vmem>>) attributes {dimension_semantics = [], scalar_prefetch = 0 : i64, scratch_operands = 0 : i64, tpu.core_type = #tpu.core_type<tc>} {
    %get3A = arith.constant 0 : index
    %get3A_0 = arith.constant 0 : index
    %get3A_1 = arith.constant 0 : index
    %get3A_2 = vector.load %arg0[%get3A, %get3A_0, %get3A_1] : memref<2x10000x104xf32, #tpu.memory_space<vmem>>, vector<2x10000x104xf32>
    %slice3A = vector.extract_strided_slice %get3A_2 {offsets = [0, 0, 0], sizes = [1, 10000, 104], strides = [1, 1, 1]} : vector<2x10000x104xf32> to vector<1x10000x104xf32>
    %squeeze3A = vector.shape_cast %slice3A : vector<1x10000x104xf32> to vector<10000x104xf32>
    %slice3A_3 = vector.extract_strided_slice %get3A_2 {offsets = [1, 0, 0], sizes = [1, 10000, 104], strides = [1, 1, 1]} : vector<2x10000x104xf32> to vector<1x10000x104xf32>
    %squeeze3A_4 = vector.shape_cast %slice3A_3 : vector<1x10000x104xf32> to vector<10000x104xf32>
    %add3A = arith.addf %squeeze3A, %squeeze3A_4 : vector<10000x104xf32>
    %slice3A_5 = vector.extract_strided_slice %add3A {offsets = [0, 0], sizes = [10000, 100], strides = [1, 1]} : vector<10000x104xf32> to vector<10000x100xf32>
    %get3A_6 = arith.constant 0 : index
    %get3A_7 = arith.constant 0 : index
    %get3A_8 = vector.load %arg2[%get3A_6, %get3A_7] : memref<10000x1xf32, #tpu.memory_space<vmem>>, vector<10000x1xf32>
    %div3A = vector.broadcast %get3A_8 : vector<10000x1xf32> to vector<10000x100xf32>
    %div3A_9 = arith.divf %slice3A_5, %div3A : vector<10000x100xf32>
    %get3A_10 = arith.constant 0 : index
    %get3A_11 = arith.constant 0 : index
    %get3A_12 = vector.load %arg1[%get3A_10, %get3A_11] : memref<10000x100xf32, #tpu.memory_space<vmem>>, vector<10000x100xf32>
    %add3A_13 = arith.addf %div3A_9, %get3A_12 : vector<10000x100xf32>
    %swap3A = arith.constant 0 : index
    %swap3A_14 = arith.constant 0 : index
    %swap3A_15 = vector.load %arg3[%swap3A, %swap3A_14] : memref<10000x100xf32, #tpu.memory_space<vmem>>, vector<10000x100xf32>
    tpu.vector_store %arg3[%swap3A, %swap3A_14], %add3A_13 {strides = array<i32>} : memref<10000x100xf32, #tpu.memory_space<vmem>>, vector<10000x100xf32>,
    return
  }
}

</mosaic_0001>

<sc_bundles>
// kernel: kernel.10.cloned.1.call-start
scs
__scs_entry_jumppad:
0x0: {  	(pc) =	sbr.rel $0x88, $3  }
0x1: {  	(tag) =	ssettag $0x0;
	lr =	simm.s32 $0x1  }
0x2: {  	[smem:$0x3F99] =	sst lr;
	_ =	strace $0xD0000000  }
0x3: {  	_ = 	snop  }
0x4: {  	_ = 	snop  }
0x5: {  	_ = 	snop  }
0x6: {  	_ = 	snop  }
0x7: {  	_ = 	snop  }
__scs_overlays_trampoline_lowered:
0x8: {  	[smem:$0x3FA8] =	sst s0  }
0x9: {  	[smem:$0x3FA9] =	sst s1  }
0xa: {  	[smem:$0x3FAA] =	sst s2  }
0xb: {  	[smem:$0x3FAB] =	sst s3  }
0xc: {  	[smem:$0x3FAC] =	sst s4  }
0xd: {  	[smem:$0x3FAD] =	sst s5  }
0xe: {  	[smem:$0x3FAE] =	sst s6  }
0xf: {  	[smem:$0x3FAF] =	sst s7  }
0x10: {  	[smem:$0x3FB0] =	sst s8  }
0x11: {  	[smem:$0x3FB1] =	sst s9;
	s0 =	simm.s32 @!p0 $0x0  }
0x12: {  	s1 =	sld [smem:$0x3F97];
	s0 =	simm.s32 @p0 $0x1  }
0x13: {  	[smem:$0x3FB2] =	sst s0;
	s0 =	simm.s32 @!p1 $0x0  }
0x14: {  	s2 =	sld [smem:$0x3F96];
	s0 =	simm.s32 @p1 $0x1  }
0x15: {  	[smem:$0x3FB3] =	sst s0;
	s0 =	simm.s32 @!p2 $0x0  }
0x16: {  	s3 =	sld [smem:$0x3FDB];
	s0 =	simm.s32 @p2 $0x1  }
0x17: {  	s4 =	simm.s32 $0x1BF5;
	[smem:$0x3FB5] =	sst s0  }
0x18: {  	s0 =	sld [smem:$0x3F98];
	_ =	swait.ge [sflag:s4], $0x0  }
0x19: {  	s7 =	sld [smem:$0x3F99]  }
0x1a: {  	s8 =	sadd.s32 $0xFFFFE003, lr  }
0x1b: {  	s9 =	sadd.s32 $0xFFFFFEF7, lr;
	s5 =	simm.s32 $0xFFFFFFFF;
	p2 =	slt.u32 s8, $0xFFFFF086  }
0x1c: {  	p1 =	slt.u32 s9, $0xF7A;
	s5 =	simm.s32 @!p2 $0x0  }
0x1d: {  	s5 =	simm.s32 @p1 $0x1;
	p0 =	seq.s32 s7, s2  }
0x1e: {  	s7 =	smul.u32 @!p0 $0xF7A, s2;
	p2 =	seq.s32 @!p0 s5, $0x0  }
0x1f: {  	s9 =	smul.u32 $0xF7A, s1;
	s8 =	simm.s32 @!p0 $0x1BF5;
	p2 =	por !p2, p0  }
0x20: {  	[sflag:s8] =	ssyncset.s32 @!p0 $0xFFFFF086;
	s6 =	sadd.s32 @!p0 s3, s7;
	s7 =	simm.s32 @!p0 $0x108  }
0x21: {  	s3 =	sadd.s32 s3, s9;
	s6 =	sadd.s32 @!p0 $0x88, s6;
	s7 =	simm.s32 @p2 $0x1082  }
0x22: {  	[simem:s7], [sflag:s8] =	dma.local @!p0 [hbm:s6], $0xF7A  }
0x23: {  	s9 =	sor.u32 $0xD0000000, s2;
	s6 =	simm.s32 $0x108;
	_ =	swait.ge @!p0 [sflag:s8], $0x0  }
0x24: {  	s3 =	sadd.s32 $0x88, s3;
	s6 =	simm.s32 @!p1 $0x1082;
	[sflag:s4] =	ssyncset.s32 $0xFFFFF086  }
0x25: {  	[simem:s6], [sflag:s4] =	dma.local [hbm:s3], $0xF7A  }
0x26: {  	[smem:$0x3F99] =	sst s1;
	(tag) =	ssettag s2;
	_ =	strace s9  }
0x27: {  	s1 =	sld [smem:$0x3FA9]  }
0x28: {  	s2 =	sld [smem:$0x3FAA]  }
0x29: {  	s4 =	sld [smem:$0x3FAC]  }
0x2a: {  	p0 =	seq.s32 s5, $0x0;
	s5 =	sld [smem:$0x3FAD]  }
0x2b: {  	s6 =	sld [smem:$0x3FAE]  }
0x2c: {  	s7 =	sld [smem:$0x3FAF]  }
0x2d: {  	s3 =	simm.s32 $0x108;
	s8 =	sld [smem:$0x3FB0]  }
0x2e: {  	s3 =	simm.s32 @!p0 $0x1082;
	s9 =	sld [smem:$0x3FB1]  }
0x2f: {  	lr =	sadd.s32 s0, s3;
	s0 =	sld [smem:$0x3FA8]  }
0x30: {  	s3 =	sld [smem:$0x3FAB]  }
0x31: {  	[smem:$0x3FB4] =	sst s10  }
0x32: {  	s10 =	sld [smem:$0x3FB2];
	_ =	sdelay $0x3  }
0x33: {  	p0 =	seq.s32 s10, $0x1;
	s10 =	sld [smem:$0x3FB4];
	_ =	sdelay $0x3  }
0x34: {  	[smem:$0x3FB4] =	sst s10  }
0x35: {  	s10 =	sld [smem:$0x3FB3];
	_ =	sdelay $0x3  }
0x36: {  	p1 =	seq.s32 s10, $0x1;
	s10 =	sld [smem:$0x3FB4];
	_ =	sdelay $0x3  }
0x37: {  	[smem:$0x3FB4] =	sst s10  }
0x38: {  	s10 =	sld [smem:$0x3FB5]  }
0x39: {  	_ = 	snop;
	(pc) =	sbr.ind lr, $3  }
0x3a: {  	_ = 	snop  }
0x3b: {  	_ = 	snop  }
0x3c: {  	p2 =	seq.s32 s10, $0x1;
	s10 =	sld [smem:$0x3FB4]  }
0x3d: {  	_ =	shalt  }
0x3e: {  	_ =	shalt  }
0x3f: {  	_ =	shalt  }
0x40: {  	_ =	shalt  }
0x41: {  	_ =	shalt  }
0x42: {  	_ =	shalt  }
0x43: {  	_ =	shalt  }
0x44: {  	_ =	shalt  }
0x45: {  	_ =	shalt  }
0x46: {  	_ =	shalt  }
0x47: {  	_ =	shalt  }
0x48: {  	_ =	shalt  }
0x49: {  	_ =	shalt  }
0x4a: {  	_ =	shalt  }
0x4b: {  	_ =	shalt  }
0x4c: {  	_ =	shalt  }
0x4d: {  	_ =	shalt  }
0x4e: {  	_ =	shalt  }
0x4f: {  	_ =	shalt  }
0x50: {  	_ =	shalt  }
0x51: {  	_ =	shalt  }
0x52: {  	_ =	shalt  }
0x53: {  	_ =	shalt  }
0x54: {  	_ =	shalt  }
0x55: {  	_ =	shalt  }
0x56: {  	_ =	shalt  }
0x57: {  	_ =	shalt  }
0x58: {  	_ =	shalt  }
0x59: {  	_ =	shalt  }
0x5a: {  	_ =	shalt  }
0x5b: {  	_ =	shalt  }
0x5c: {  	_ =	shalt  }
0x5d: {  	_ =	shalt  }
0x5e: {  	_ =	shalt  }
0x5f: {  	_ =	shalt  }
0x60: {  	_ =	shalt  }
0x61: {  	_ =	shalt  }
0x62: {  	_ =	shalt  }
0x63: {  	_ =	shalt  }
0x64: {  	_ =	shalt  }
0x65: {  	_ =	shalt  }
0x66: {  	_ =	shalt  }
0x67: {  	_ =	shalt  }
0x68: {  	_ =	shalt  }
0x69: {  	_ =	shalt  }
0x6a: {  	_ =	shalt  }
0x6b: {  	_ =	shalt  }
0x6c: {  	_ =	shalt  }
0x6d: {  	_ =	shalt  }
0x6e: {  	_ =	shalt  }
0x6f: {  	_ =	shalt  }
0x70: {  	_ =	shalt  }
0x71: {  	_ =	shalt  }
0x72: {  	_ =	shalt  }
0x73: {  	_ =	shalt  }
0x74: {  	_ =	shalt  }
0x75: {  	_ =	shalt  }
0x76: {  	_ =	shalt  }
0x77: {  	_ =	shalt  }
0x78: {  	_ =	shalt  }
0x79: {  	_ =	shalt  }
0x7a: {  	_ =	shalt  }
0x7b: {  	_ =	shalt  }
0x7c: {  	_ =	shalt  }
0x7d: {  	_ =	shalt  }
0x7e: {  	_ =	shalt  }
0x7f: {  	_ =	shalt  }
0x80: {  	_ =	shalt  }
0x81: {  	_ =	shalt  }
0x82: {  	_ =	shalt  }
0x83: {  	_ =	shalt  }
0x84: {  	_ =	shalt  }
0x85: {  	_ =	shalt  }
0x86: {  	_ =	shalt  }
0x87: {  	_ =	shalt  }
.Lfunc_end0:
.L_simem_size_0:
called_computation.1_lowered:
.L_overlay_start_0:
0x88: {  	s2 =	sld [smem:$0x3FD9]  }
0x89: {  	s3 =	sld [smem:$0x3FFE];
	_ =	sdelay $0x1  }
0x8a: {  	s1 =	srdreg.scid  }
0x8b: {  	s0 =	sand.u32 $0x1, s1  }
0x8c: {  	s17 =	sshll.u32 s0, $0xA;
	s2 =	sadd.s32 s3, s2  }
0x8d: {  	s2 =	sadd.s32 s2, s17  }
0x8e: {  	[smem:$0x3FC0] =	sst s2  }
0x8f: {  	_ = 	snop  }
0x90: {  	s2 =	sld [smem:$0x3FD0];
	(tm) =	ssettm $0x1  }
0x91: {  	s18 =	sld [smem:$0x3FFB];
	_ =	sdelay $0x3  }
0x92: {  	_ =	strace s18  }
0x93: {  	s3 =	sld [smem:$0x3FFC];
	_ =	sdelay $0x3  }
0x94: {  	_ =	strace s3  }
0x95: {  	s3 =	sld [smem:$0x3FFD];
	_ =	sdelay $0x3  }
0x96: {  	_ =	strace s3  }
0x97: {  	_ =	strace $0x8FFFFFFF  }
0x98: {  	s19 =	sld [smem:$0x3FDB];
	_ =	sdelay $0x1  }
0x99: {  	s4 =	simm.s32 $_scs_section_size  }
0x9a: {  	s5 =	simm.s32 $_size__tile_overlayer_lowered;
	s6 =	simm.s32 $_tile_overlayer_lowered  }
0x9b: {  	s22 =	simm.s32 $0x1BFF;
	s21 =	sshll.u32 s6, $0x1;
	s3 =	sadd.s32 s4, s19  }
0x9c: {  	s7 =	simm.s32 $0x0;
	s20 =	sshll.u32 s5, $0x1;
	s5 =	sadd.s32 s21, s3  }
0x9d: {  	[timem:s7], [sflag:s22] =	dma.local [hbm:s5], s20  }
0x9e: {  	_ =	swait.ge [sflag:s22], s20  }
0x9f: {  	s4 =	ssub.s32 $0x0, s20;
	[sflag:s22] =	ssyncset.done $0x0  }
0xa0: {  	[sflag:s22] =	ssyncadd.s32 s4;
	_ =	sdelay $0x1  }
0xa1: {  	s23 =	simm.s32 $0x1B8B  }
0xa2: {  	_ =	swait.ge [sflag:s23], $0x1  }
0xa3: {  	[sflag:s23] =	ssyncset.done $0x0  }
0xa4: {  	s25 =	simm.s32 $0x1B8E;
	s24 =	sld [smem:$0x3FFE];
	[sflag:s23] =	ssyncadd.s32 $0xFFFFFFFF  }
0xa5: {  	s26 =	simm.s32 $execute0_lowered;
	[smem:$0x3FD2] =	sst s25  }
0xa6: {  	s5 =	sshll.u32 s26, $0x1;
	_ =	strace $0x80000049;
	[dreg:$0x1] =	wrdreg $0xFFFFFFFF  }
0xa7: {  	s28 =	simm.s32 $_size_execute0_lowered;
	s3 =	sadd.s32 s3, s5;
	[dreg:$0x0] =	wrdreg $0x0  }
0xa8: {  	s5 =	sshll.u32 s28, $0x1;
	[dreg:$0x2] =	wrdreg s3  }
0xa9: {  	[dreg:$0x3] =	wrdreg s5  }
0xaa: {  	[dreg:$0x4] =	wrdreg $0xC0  }
0xab: {  	_ =	task [dreg:s7], $0x5FFFF  }
0xac: {  	[dreg:$0x1] =	wrdreg $0xFFFFFFFF  }
0xad: {  	[dreg:$0x0] =	wrdreg $0x60  }
0xae: {  	[dreg:$0x2] =	wrdreg s24  }
0xaf: {  	[dreg:$0x3] =	wrdreg s2  }
0xb0: {  	[dreg:$0x4] =	wrdreg $0x77400  }
0xb1: {  	[dreg:$0x5] =	wrdreg $0x9  }
0xb2: {  	_ =	task.clear_ibuf [dreg:s7], $0x6FFFF;
	_ =	strace $0x90000049  }
0xb3: {  	s29 =	simm.s32 $0x9;
	_ =	strace $0x8000004B  }
0xb4: {  	_ =	swait.ge [sflag:s29], $0x1  }
0xb5: {  	[sflag:s29] =	ssyncadd.s32 $0xFFFFFFFF  }
0xb6: {  	_ =	strace $0x9000004B  }
0xb7: {  	_ =	sfence  }
0xb8: {  	s30 =	sld [smem:$0x0];
	_ =	sdelay $0x2  }
0xb9: {  	s31 =	sshll.u32 s1, $0xD;
	s1 =	sshrl.u32 s1, $0x2  }
0xba: {  	s3 =	sand.u32 $0x4000, s31;
	s1 =	sadd.s32 s1, s30  }
0xbb: {  	s0 =	sor.u32 s3, s0;
	s1 =	sshll.u32 s1, $0x11  }
0xbc: {  	s0 =	sor.u32 s1, s0  }
0xbd: {  	s0 =	sadd.s32 $0x8F2B, s0  }
0xbe: {  	[sflag:s0] =	ssyncadd.remote.s32 $0x1  }
0xbf: {  	_ =	sfence.sel $0xFFFF  }
0xc0: {  	[dreg:$0x0] =	wrdreg $0xFFFFFFFF;
	(pc) =	sbr.abs _section_cstart, $3  }
0xc1: {  	[dreg:$0x1] =	wrdreg $0xFFFFFFFF  }
0xc2: {  	_ =	task.clear_ibuf [dreg:s7], $0x2FFFF;
	_ =	strace $0x9FFFFFFF  }
0xc3: {  	(tm) =	ssettm $0x7FFFFFFF  }
tec
execute0_lowered:
.L_overlay_start_1:
0x0: {  	(tag) =	ssettag $0x1  }
0x1: {  	s5 =	rddreg [dreg:$0x0]  }
0x2: {  	s6 =	rddreg [dreg:$0x1]  }
0x3: {  	s2 =	rddreg [dreg:$0x2]  }
0x4: {  	s0 =	rddreg [dreg:$0x3];
	s3 =	simm.s32 $0x0;
	s4 =	srdreg.scid  }
0x5: {  	s1 =	stileid.u32;
	s13 =	simm.s32 $0x27C0;
	s14 =	simm.s32 $0x2940  }
0x6: {  	s15 =	simm.s32 $0x1;
	s16 =	simm.s32 $0x2880;
	s17 =	simm.s32 $0x0  }
0x7: {  	s7 =	sand.u32 $0x1, s4;
	s29 =	sshll.u32 s1, $0x1;
	s8 =	smul.u32 $0x100C0, s1  }
0x8: {  	[smem:$0x7FF] =	sst s3;
	s31 =	sshll.u32 s1, $0x6;
	s4 =	sor.u32 s7, s29  }
0x9: {  	s9 =	smul.u32 $0x100C00, s7;
	_ =	strace $0x8000004A;
	s7 =	ssub.s32 $0x2, s7  }
0xa: {  	s10 =	smul.u32 $0x4F8, s4;
	s4 =	sadd.s32 $0x1200, s5;
	s11 =	sshrl.u32 s7, $0x1  }
0xb: {  	s30 =	sshrl.u32 s8, $0x3;
	s12 =	sadd.s32 s8, s2;
	s9 =	sadd.s32 s8, s9  }
0xc: {  	s11 =	ssub.s32 s7, s11;
	s10 =	sadd.s32 s10, s5;
	s9 =	sshrl.u32 s9, $0x3  }
0xd: {  	s9 =	sadd.s32 s9, s5;
	s5 =	sadd.s32 s6, s30;
	s6 =	sor.u32 $0x1C02, s31  }
0xe: {  	s7 =	sadd.s32 $0x20E00, s10;
	s10 =	sshrl.u32 s12, $0x3;
	s12 =	simm.s32 $0x60  }
0xf: {  	s8 =	sadd.s32 $0x2AE00, s9;
	s9 =	smax.u32 s11, $0x1;
	s11 =	simm.s32 $0x2  }
.LBB2_1:
0x10: {  	[spmem:s10], [sflag:s6] =	dma.local [hbm:s5], $0x2018  }
0x11: {  	_ =	swait.ge [sflag:s11], $0x2018  }
0x12: {  	[sflag:s11] =	ssyncset.done $0x0  }
0x13: {  	[sflag:s11] =	ssyncadd.s32 $0xFFFFDFE8  }
0x14: {  	[tilespmem:s3], [sflag:$0x2] =	stream.linear.gather [hbm4b:s7+s3], $0x27C0, $0x38;
	[tilespmem:$0x17800] =	vst v63  }
0x15: {  	_ =	swait.ge [sflag:s11], $0x27C0  }
0x16: {  	[sflag:s11] =	ssyncset.done $0x0  }
0x17: {  	[sflag:s11] =	ssyncadd.s32 $0xFFFFD840  }
0x18: {  	s18 =	simm.s32 $0x0;
	[bflag:$0x0] =	sbarrier.arrive $0xFFFF  }
0x19: {  	v0 =	vld [tilespmem:s18+$0x0];
	_ =	sdelay $0x4  }
0x1a: {  	v1 =	vshra.s32 v0, $0xE  }
0x1b: {  	v0 =	vand.u32 $0x3FFF, v0;
	[tilespmem:$0x27C0] =	vst v1  }
0x1c: {  	[tilespmem:$0x2880] =	vst v0  }
0x1d: {  	v0 =	vld [tilespmem:s18+$0x10];
	_ =	sdelay $0x4  }
0x1e: {  	v59 =	vshra.s32 v0, $0xE  }
0x1f: {  	v0 =	vand.u32 $0x3FFF, v0;
	[tilespmem:$0x27D0] =	vst v59  }
0x20: {  	[tilespmem:$0x2890] =	vst v0  }
0x21: {  	v0 =	vld [tilespmem:s18+$0x20];
	_ =	sdelay $0x4  }
0x22: {  	v60 =	vshra.s32 v0, $0xE  }
0x23: {  	v0 =	vand.u32 $0x3FFF, v0;
	[tilespmem:$0x27E0] =	vst v60  }
0x24: {  	[tilespmem:$0x28A0] =	vst v0  }
0x25: {  	v0 =	vld [tilespmem:s18+$0x30];
	_ =	sdelay $0x4  }
0x26: {  	v61 =	vshra.s32 v0, $0xE  }
0x27: {  	v0 =	vand.u32 $0x3FFF, v0;
	[tilespmem:$0x27F0] =	vst v61  }
0x28: {  	[tilespmem:$0x28B0] =	vst v0  }
0x29: {  	v0 =	vld [tilespmem:s18+$0x40];
	_ =	sdelay $0x4  }
0x2a: {  	v62 =	vshra.s32 v0, $0xE  }
0x2b: {  	v0 =	vand.u32 $0x3FFF, v0;
	[tilespmem:$0x2800] =	vst v62  }
0x2c: {  	[tilespmem:$0x28C0] =	vst v0  }
0x2d: {  	v0 =	vld [tilespmem:s18+$0x50];
	_ =	sdelay $0x4  }
0x2e: {  	v63 =	vshra.s32 v0, $0xE  }
0x2f: {  	v0 =	vand.u32 $0x3FFF, v0;
	[tilespmem:$0x2810] =	vst v63  }
0x30: {  	s18 =	simm.s32 $0x180;
	[tilespmem:$0x28D0] =	vst v0  }
0x31: {  	[tilespmem:s14], [sflag:$0x1] =	stream.indirect.gather [hbm4b:s4+s12], $0x68, s13, s12, $0xb8;
	[tilespmem:$0x17800] =	vst v63  }
.LBB2_2:
0x32: {  	p0 =	sne.s32 s18, $0x9D80  }
0x33: {  	_ =	swait.ge [sflag:s15], $0x2700;
	s19 =	smov.u32 s18;
	s18 =	sadd.s32 $0x180, s18  }
0x34: {  	[sflag:s15] =	ssyncset.done $0x0  }
0x35: {  	[sflag:s15] =	ssyncadd.s32 $0xFFFFD900  }
0x36: {  	[spmem:s2] =	stream.indirect.scatter.add.f32 [tilespmem:s14], [sflag:$0x2], $0x68, s16, s12, $0xb8;
	[tilespmem:$0x17800] =	vst v63  }
0x37: {  	_ =	swait.ge [sflag:s11], $0x2700  }
0x38: {  	[sflag:s11] =	ssyncset.done $0x0  }
0x39: {  	s19 =	sshra.s32 s19, $0x2;
	[sflag:s11] =	ssyncadd.s32 $0xFFFFD900  }
0x3a: {  	v0 =	vld [tilespmem:s19+$0x0];
	_ =	sdelay $0x4  }
0x3b: {  	v1 =	vshra.s32 v0, $0xE;
	v0 =	vand.u32 $0x3FFF, v0  }
0x3c: {  	[tilespmem:$0x27C0] =	vst v1  }
0x3d: {  	[tilespmem:$0x2880] =	vst v0  }
0x3e: {  	v0 =	vld [tilespmem:s19+$0x10];
	_ =	sdelay $0x4  }
0x3f: {  	v1 =	vshra.s32 v0, $0xE;
	v0 =	vand.u32 $0x3FFF, v0  }
0x40: {  	[tilespmem:$0x27D0] =	vst v1  }
0x41: {  	[tilespmem:$0x2890] =	vst v0  }
0x42: {  	v0 =	vld [tilespmem:s19+$0x20];
	_ =	sdelay $0x4  }
0x43: {  	v1 =	vshra.s32 v0, $0xE;
	v0 =	vand.u32 $0x3FFF, v0  }
0x44: {  	[tilespmem:$0x27E0] =	vst v1  }
0x45: {  	[tilespmem:$0x28A0] =	vst v0  }
0x46: {  	v0 =	vld [tilespmem:s19+$0x30];
	_ =	sdelay $0x4  }
0x47: {  	v1 =	vshra.s32 v0, $0xE;
	v0 =	vand.u32 $0x3FFF, v0  }
0x48: {  	[tilespmem:$0x27F0] =	vst v1  }
0x49: {  	[tilespmem:$0x28B0] =	vst v0  }
0x4a: {  	v0 =	vld [tilespmem:s19+$0x40];
	_ =	sdelay $0x4  }
0x4b: {  	v1 =	vshra.s32 v0, $0xE;
	v0 =	vand.u32 $0x3FFF, v0  }
0x4c: {  	[tilespmem:$0x2800] =	vst v1  }
0x4d: {  	[tilespmem:$0x28C0] =	vst v0  }
0x4e: {  	v0 =	vld [tilespmem:s19+$0x50];
	_ =	sdelay $0x3  }
.Ltmp0:
0x4f: {  	(pc) =	sbr.rel @p0 .LBB2_2-.Ltmp0, $4  }
0x50: {  	v1 =	vshra.s32 v0, $0xE;
	v0 =	vand.u32 $0x3FFF, v0  }
0x51: {  	[tilespmem:$0x2810] =	vst v1  }
0x52: {  	[tilespmem:$0x28D0] =	vst v0  }
0x53: {  	[tilespmem:s14], [sflag:$0x1] =	stream.indirect.gather [hbm4b:s4+s12], $0x68, s13, s12, $0xb8;
	[tilespmem:$0x17800] =	vst v63  }
0x54: {  	_ =	swait.ge [sflag:s15], $0x2700  }
0x55: {  	[sflag:s15] =	ssyncset.done $0x0  }
0x56: {  	[sflag:s15] =	ssyncadd.s32 $0xFFFFD900  }
0x57: {  	[spmem:s2] =	stream.indirect.scatter.add.f32 [tilespmem:s14], [sflag:$0x2], $0x68, s16, s12, $0xb8;
	[tilespmem:$0x17800] =	vst v63  }
0x58: {  	_ =	swait.ge [sflag:s11], $0x2700  }
0x59: {  	s17 =	sadd.s32 $0x1, s17;
	[sflag:s11] =	ssyncset.done $0x0  }
0x5a: {  	p0 =	sne.s32 s17, s9;
	[sflag:s11] =	ssyncadd.s32 $0xFFFFD900  }
.Ltmp1:
0x5b: {  	[bflag:$0x0] =	sbarrier.arrive $0xFFFF;
	(pc) =	sbr.rel @p0 .LBB2_1-.Ltmp1, $4  }
0x5c: {  	[hbm:s8], [sflag:s6] =	dma.local [spmem:s10], $0x2018  }
0x5d: {  	_ =	swait.ge [sflag:s11], $0x2018  }
0x5e: {  	[sflag:s11] =	ssyncset.done $0x0  }
0x5f: {  	[sflag:s11] =	ssyncadd.s32 $0xFFFFDFE8  }
0x60: {  	_ =	sfence.sel $0x180000  }
0x61: {  	[bflag:$0x0] =	sbarrier.arrive $0xFFFF  }
0x62: {  	p0 =	sne.s32 s1, $0x0;
	_ =	strace $0x9000004A  }
0x63: {  	s0 =	sadd.s32 @!p0 $0x100000, s0;
	[bflag:$0x2] =	sbarrier.arrive $0xFFFF  }
0x64: {  	[sflag:s0] =	ssyncadd.tile.s32 @!p0 $0x1;
	_ =	shalt  }
.Lfunc_end2:
_tile_overlayer_lowered:
.L_overlay_start_2:
0x65: {  	(tag) =	ssettag $0x2  }
0x66: {  	s0 =	rddreg [dreg:$0x0];
	s2 =	stileid.u32  }
0x67: {  	s1 =	rddreg [dreg:$0x1];
	p0 =	sne.s32 s2, $0x0  }
0x68: {  	s3 =	rddreg [dreg:$0x2];
	[bflag:$0x3] =	sbarrier.arrive $0xFFFF;
	s2 =	simm.s32 @!p0 $0x1C02  }
0x69: {  	[timem:s3], [sflag:s2] =	dma.local @!p0 [hbm:s0], s1  }
0x6a: {  	s0 =	simm.s32 @!p0 $0x2  }
0x6b: {  	_ =	swait.ge @!p0 [sflag:s0], s1  }
0x6c: {  	s1 =	ssub.s32 @!p0 $0x0, s1;
	[sflag:s0] =	ssyncset.done @!p0 $0x0  }
0x6d: {  	[sflag:s0] =	ssyncadd.s32 @!p0 s1  }
0x6e: {  	[bflag:$0x3] =	sbarrier.arrive $0xFFFF  }
0x6f: {  	_ =	shalt  }

// kernel: kernel.7.cloned.1.call-start
scs
__scs_entry_jumppad:
0x0: {  	(pc) =	sbr.rel $0x88, $3  }
0x1: {  	(tag) =	ssettag $0x0;
	lr =	simm.s32 $0x1  }
0x2: {  	[smem:$0x3F99] =	sst lr;
	_ =	strace $0xD0000000  }
0x3: {  	_ = 	snop  }
0x4: {  	_ = 	snop  }
0x5: {  	_ = 	snop  }
0x6: {  	_ = 	snop  }
0x7: {  	_ = 	snop  }
__scs_overlays_trampoline_lowered:
0x8: {  	[smem:$0x3FA8] =	sst s0  }
0x9: {  	[smem:$0x3FA9] =	sst s1  }
0xa: {  	[smem:$0x3FAA] =	sst s2  }
0xb: {  	[smem:$0x3FAB] =	sst s3  }
0xc: {  	[smem:$0x3FAC] =	sst s4  }
0xd: {  	[smem:$0x3FAD] =	sst s5  }
0xe: {  	[smem:$0x3FAE] =	sst s6  }
0xf: {  	[smem:$0x3FAF] =	sst s7  }
0x10: {  	[smem:$0x3FB0] =	sst s8  }
0x11: {  	[smem:$0x3FB1] =	sst s9;
	s0 =	simm.s32 @!p0 $0x0  }
0x12: {  	s1 =	sld [smem:$0x3F97];
	s0 =	simm.s32 @p0 $0x1  }
0x13: {  	[smem:$0x3FB2] =	sst s0;
	s0 =	simm.s32 @!p1 $0x0  }
0x14: {  	s2 =	sld [smem:$0x3F96];
	s0 =	simm.s32 @p1 $0x1  }
0x15: {  	[smem:$0x3FB3] =	sst s0;
	s0 =	simm.s32 @!p2 $0x0  }
0x16: {  	s3 =	sld [smem:$0x3FDB];
	s0 =	simm.s32 @p2 $0x1  }
0x17: {  	s4 =	simm.s32 $0x1BF5;
	[smem:$0x3FB5] =	sst s0  }
0x18: {  	s0 =	sld [smem:$0x3F98];
	_ =	swait.ge [sflag:s4], $0x0  }
0x19: {  	s7 =	sld [smem:$0x3F99]  }
0x1a: {  	s8 =	sadd.s32 $0xFFFFE003, lr  }
0x1b: {  	s9 =	sadd.s32 $0xFFFFFEF7, lr;
	s5 =	simm.s32 $0xFFFFFFFF;
	p2 =	slt.u32 s8, $0xFFFFF086  }
0x1c: {  	p1 =	slt.u32 s9, $0xF7A;
	s5 =	simm.s32 @!p2 $0x0  }
0x1d: {  	s5 =	simm.s32 @p1 $0x1;
	p0 =	seq.s32 s7, s2  }
0x1e: {  	s7 =	smul.u32 @!p0 $0xF7A, s2;
	p2 =	seq.s32 @!p0 s5, $0x0  }
0x1f: {  	s9 =	smul.u32 $0xF7A, s1;
	s8 =	simm.s32 @!p0 $0x1BF5;
	p2 =	por !p2, p0  }
0x20: {  	[sflag:s8] =	ssyncset.s32 @!p0 $0xFFFFF086;
	s6 =	sadd.s32 @!p0 s3, s7;
	s7 =	simm.s32 @!p0 $0x108  }
0x21: {  	s3 =	sadd.s32 s3, s9;
	s6 =	sadd.s32 @!p0 $0x88, s6;
	s7 =	simm.s32 @p2 $0x1082  }
0x22: {  	[simem:s7], [sflag:s8] =	dma.local @!p0 [hbm:s6], $0xF7A  }
0x23: {  	s9 =	sor.u32 $0xD0000000, s2;
	s6 =	simm.s32 $0x108;
	_ =	swait.ge @!p0 [sflag:s8], $0x0  }
0x24: {  	s3 =	sadd.s32 $0x88, s3;
	s6 =	simm.s32 @!p1 $0x1082;
	[sflag:s4] =	ssyncset.s32 $0xFFFFF086  }
0x25: {  	[simem:s6], [sflag:s4] =	dma.local [hbm:s3], $0xF7A  }
0x26: {  	[smem:$0x3F99] =	sst s1;
	(tag) =	ssettag s2;
	_ =	strace s9  }
0x27: {  	s1 =	sld [smem:$0x3FA9]  }
0x28: {  	s2 =	sld [smem:$0x3FAA]  }
0x29: {  	s4 =	sld [smem:$0x3FAC]  }
0x2a: {  	p0 =	seq.s32 s5, $0x0;
	s5 =	sld [smem:$0x3FAD]  }
0x2b: {  	s6 =	sld [smem:$0x3FAE]  }
0x2c: {  	s7 =	sld [smem:$0x3FAF]  }
0x2d: {  	s3 =	simm.s32 $0x108;
	s8 =	sld [smem:$0x3FB0]  }
0x2e: {  	s3 =	simm.s32 @!p0 $0x1082;
	s9 =	sld [smem:$0x3FB1]  }
0x2f: {  	lr =	sadd.s32 s0, s3;
	s0 =	sld [smem:$0x3FA8]  }
0x30: {  	s3 =	sld [smem:$0x3FAB]  }
0x31: {  	[smem:$0x3FB4] =	sst s10  }
0x32: {  	s10 =	sld [smem:$0x3FB2];
	_ =	sdelay $0x3  }
0x33: {  	p0 =	seq.s32 s10, $0x1;
	s10 =	sld [smem:$0x3FB4];
	_ =	sdelay $0x3  }
0x34: {  	[smem:$0x3FB4] =	sst s10  }
0x35: {  	s10 =	sld [smem:$0x3FB3];
	_ =	sdelay $0x3  }
0x36: {  	p1 =	seq.s32 s10, $0x1;
	s10 =	sld [smem:$0x3FB4];
	_ =	sdelay $0x3  }
0x37: {  	[smem:$0x3FB4] =	sst s10  }
0x38: {  	s10 =	sld [smem:$0x3FB5]  }
0x39: {  	_ = 	snop;
	(pc) =	sbr.ind lr, $3  }
0x3a: {  	_ = 	snop  }
0x3b: {  	_ = 	snop  }
0x3c: {  	p2 =	seq.s32 s10, $0x1;
	s10 =	sld [smem:$0x3FB4]  }
0x3d: {  	_ =	shalt  }
0x3e: {  	_ =	shalt  }
0x3f: {  	_ =	shalt  }
0x40: {  	_ =	shalt  }
0x41: {  	_ =	shalt  }
0x42: {  	_ =	shalt  }
0x43: {  	_ =	shalt  }
0x44: {  	_ =	shalt  }
0x45: {  	_ =	shalt  }
0x46: {  	_ =	shalt  }
0x47: {  	_ =	shalt  }
0x48: {  	_ =	shalt  }
0x49: {  	_ =	shalt  }
0x4a: {  	_ =	shalt  }
0x4b: {  	_ =	shalt  }
0x4c: {  	_ =	shalt  }
0x4d: {  	_ =	shalt  }
0x4e: {  	_ =	shalt  }
0x4f: {  	_ =	shalt  }
0x50: {  	_ =	shalt  }
0x51: {  	_ =	shalt  }
0x52: {  	_ =	shalt  }
0x53: {  	_ =	shalt  }
0x54: {  	_ =	shalt  }
0x55: {  	_ =	shalt  }
0x56: {  	_ =	shalt  }
0x57: {  	_ =	shalt  }
0x58: {  	_ =	shalt  }
0x59: {  	_ =	shalt  }
0x5a: {  	_ =	shalt  }
0x5b: {  	_ =	shalt  }
0x5c: {  	_ =	shalt  }
0x5d: {  	_ =	shalt  }
0x5e: {  	_ =	shalt  }
0x5f: {  	_ =	shalt  }
0x60: {  	_ =	shalt  }
0x61: {  	_ =	shalt  }
0x62: {  	_ =	shalt  }
0x63: {  	_ =	shalt  }
0x64: {  	_ =	shalt  }
0x65: {  	_ =	shalt  }
0x66: {  	_ =	shalt  }
0x67: {  	_ =	shalt  }
0x68: {  	_ =	shalt  }
0x69: {  	_ =	shalt  }
0x6a: {  	_ =	shalt  }
0x6b: {  	_ =	shalt  }
0x6c: {  	_ =	shalt  }
0x6d: {  	_ =	shalt  }
0x6e: {  	_ =	shalt  }
0x6f: {  	_ =	shalt  }
0x70: {  	_ =	shalt  }
0x71: {  	_ =	shalt  }
0x72: {  	_ =	shalt  }
0x73: {  	_ =	shalt  }
0x74: {  	_ =	shalt  }
0x75: {  	_ =	shalt  }
0x76: {  	_ =	shalt  }
0x77: {  	_ =	shalt  }
0x78: {  	_ =	shalt  }
0x79: {  	_ =	shalt  }
0x7a: {  	_ =	shalt  }
0x7b: {  	_ =	shalt  }
0x7c: {  	_ =	shalt  }
0x7d: {  	_ =	shalt  }
0x7e: {  	_ =	shalt  }
0x7f: {  	_ =	shalt  }
0x80: {  	_ =	shalt  }
0x81: {  	_ =	shalt  }
0x82: {  	_ =	shalt  }
0x83: {  	_ =	shalt  }
0x84: {  	_ =	shalt  }
0x85: {  	_ =	shalt  }
0x86: {  	_ =	shalt  }
0x87: {  	_ =	shalt  }
.Lfunc_end0:
.L_simem_size_0:
called_computation_lowered:
.L_overlay_start_0:
0x88: {  	s2 =	sld [smem:$0x3FD9]  }
0x89: {  	s3 =	sld [smem:$0x3FFE];
	_ =	sdelay $0x1  }
0x8a: {  	s1 =	srdreg.scid  }
0x8b: {  	s0 =	sand.u32 $0x1, s1  }
0x8c: {  	s17 =	sshll.u32 s0, $0xA;
	s2 =	sadd.s32 s3, s2  }
0x8d: {  	s2 =	sadd.s32 s2, s17  }
0x8e: {  	[smem:$0x3FC0] =	sst s2  }
0x8f: {  	_ = 	snop  }
0x90: {  	s2 =	sld [smem:$0x3FD0];
	(tm) =	ssettm $0x1  }
0x91: {  	s18 =	sld [smem:$0x3FFB];
	_ =	sdelay $0x3  }
0x92: {  	_ =	strace s18  }
0x93: {  	s3 =	sld [smem:$0x3FFC];
	_ =	sdelay $0x3  }
0x94: {  	_ =	strace s3  }
0x95: {  	s3 =	sld [smem:$0x3FFD];
	_ =	sdelay $0x3  }
0x96: {  	_ =	strace s3  }
0x97: {  	_ =	strace $0x8FFFFFFF  }
0x98: {  	s19 =	sld [smem:$0x3FDB];
	_ =	sdelay $0x1  }
0x99: {  	s4 =	simm.s32 $_scs_section_size  }
0x9a: {  	s5 =	simm.s32 $_size__tile_overlayer_lowered;
	s6 =	simm.s32 $_tile_overlayer_lowered  }
0x9b: {  	s22 =	simm.s32 $0x1BFF;
	s21 =	sshll.u32 s6, $0x1;
	s3 =	sadd.s32 s4, s19  }
0x9c: {  	s7 =	simm.s32 $0x0;
	s20 =	sshll.u32 s5, $0x1;
	s5 =	sadd.s32 s21, s3  }
0x9d: {  	[timem:s7], [sflag:s22] =	dma.local [hbm:s5], s20  }
0x9e: {  	_ =	swait.ge [sflag:s22], s20  }
0x9f: {  	s4 =	ssub.s32 $0x0, s20;
	[sflag:s22] =	ssyncset.done $0x0  }
0xa0: {  	[sflag:s22] =	ssyncadd.s32 s4;
	_ =	sdelay $0x1  }
0xa1: {  	s23 =	simm.s32 $0x1B8B  }
0xa2: {  	_ =	swait.ge [sflag:s23], $0x1  }
0xa3: {  	[sflag:s23] =	ssyncset.done $0x0  }
0xa4: {  	s25 =	simm.s32 $0x1B8E;
	s24 =	sld [smem:$0x3FFE];
	[sflag:s23] =	ssyncadd.s32 $0xFFFFFFFF  }
0xa5: {  	s26 =	simm.s32 $execute0_lowered;
	[smem:$0x3FD2] =	sst s25  }
0xa6: {  	s5 =	sshll.u32 s26, $0x1;
	_ =	strace $0x80000046;
	[dreg:$0x1] =	wrdreg $0xFFFFFFFF  }
0xa7: {  	s28 =	simm.s32 $_size_execute0_lowered;
	s3 =	sadd.s32 s3, s5;
	[dreg:$0x0] =	wrdreg $0x0  }
0xa8: {  	s5 =	sshll.u32 s28, $0x1;
	[dreg:$0x2] =	wrdreg s3  }
0xa9: {  	[dreg:$0x3] =	wrdreg s5  }
0xaa: {  	[dreg:$0x4] =	wrdreg $0xC0  }
0xab: {  	_ =	task [dreg:s7], $0x5FFFF  }
0xac: {  	[dreg:$0x1] =	wrdreg $0xFFFFFFFF  }
0xad: {  	[dreg:$0x0] =	wrdreg $0x60  }
0xae: {  	[dreg:$0x2] =	wrdreg s24  }
0xaf: {  	[dreg:$0x3] =	wrdreg s2  }
0xb0: {  	[dreg:$0x4] =	wrdreg $0x77400  }
0xb1: {  	[dreg:$0x5] =	wrdreg $0x9  }
0xb2: {  	_ =	task.clear_ibuf [dreg:s7], $0x6FFFF;
	_ =	strace $0x90000046  }
0xb3: {  	s29 =	simm.s32 $0x9;
	_ =	strace $0x80000048  }
0xb4: {  	_ =	swait.ge [sflag:s29], $0x1  }
0xb5: {  	[sflag:s29] =	ssyncadd.s32 $0xFFFFFFFF  }
0xb6: {  	_ =	strace $0x90000048  }
0xb7: {  	_ =	sfence  }
0xb8: {  	s30 =	sld [smem:$0x0];
	_ =	sdelay $0x2  }
0xb9: {  	s31 =	sshll.u32 s1, $0xD;
	s1 =	sshrl.u32 s1, $0x2  }
0xba: {  	s3 =	sand.u32 $0x4000, s31;
	s1 =	sadd.s32 s1, s30  }
0xbb: {  	s0 =	sor.u32 s3, s0;
	s1 =	sshll.u32 s1, $0x11  }
0xbc: {  	s0 =	sor.u32 s1, s0  }
0xbd: {  	s0 =	sadd.s32 $0x8F2B, s0  }
0xbe: {  	[sflag:s0] =	ssyncadd.remote.s32 $0x1  }
0xbf: {  	_ =	sfence.sel $0xFFFF  }
0xc0: {  	[dreg:$0x0] =	wrdreg $0xFFFFFFFF;
	(pc) =	sbr.abs _section_cstart, $3  }
0xc1: {  	[dreg:$0x1] =	wrdreg $0xFFFFFFFF  }
0xc2: {  	_ =	task.clear_ibuf [dreg:s7], $0x2FFFF;
	_ =	strace $0x9FFFFFFF  }
0xc3: {  	(tm) =	ssettm $0x7FFFFFFF  }
tec
execute0_lowered:
.L_overlay_start_1:
0x0: {  	(tag) =	ssettag $0x1  }
0x1: {  	s5 =	rddreg [dreg:$0x0]  }
0x2: {  	s6 =	rddreg [dreg:$0x1]  }
0x3: {  	s2 =	rddreg [dreg:$0x2]  }
0x4: {  	s0 =	rddreg [dreg:$0x3];
	s3 =	simm.s32 $0x0;
	s4 =	srdreg.scid  }
0x5: {  	s1 =	stileid.u32;
	s13 =	simm.s32 $0x27C0;
	s14 =	simm.s32 $0x2940  }
0x6: {  	s15 =	simm.s32 $0x1;
	s16 =	simm.s32 $0x2880;
	s17 =	simm.s32 $0x0  }
0x7: {  	s7 =	sand.u32 $0x1, s4;
	s29 =	sshll.u32 s1, $0x1;
	s8 =	smul.u32 $0x100C0, s1  }
0x8: {  	[smem:$0x7FF] =	sst s3;
	s31 =	sshll.u32 s1, $0x6;
	s4 =	sor.u32 s7, s29  }
0x9: {  	s9 =	smul.u32 $0x100C00, s7;
	_ =	strace $0x80000047;
	s7 =	ssub.s32 $0x2, s7  }
0xa: {  	s10 =	smul.u32 $0x4F8, s4;
	s4 =	sadd.s32 $0x1200, s5;
	s11 =	sshrl.u32 s7, $0x1  }
0xb: {  	s30 =	sshrl.u32 s8, $0x3;
	s12 =	sadd.s32 s8, s2;
	s9 =	sadd.s32 s8, s9  }
0xc: {  	s11 =	ssub.s32 s7, s11;
	s10 =	sadd.s32 s10, s5;
	s9 =	sshrl.u32 s9, $0x3  }
0xd: {  	s9 =	sadd.s32 s9, s5;
	s5 =	sadd.s32 s6, s30;
	s6 =	sor.u32 $0x1C02, s31  }
0xe: {  	s7 =	sadd.s32 $0x20E00, s10;
	s10 =	sshrl.u32 s12, $0x3;
	s12 =	simm.s32 $0x60  }
0xf: {  	s8 =	sadd.s32 $0x2AE00, s9;
	s9 =	smax.u32 s11, $0x1;
	s11 =	simm.s32 $0x2  }
.LBB2_1:
0x10: {  	[spmem:s10], [sflag:s6] =	dma.local [hbm:s5], $0x2018  }
0x11: {  	_ =	swait.ge [sflag:s11], $0x2018  }
0x12: {  	[sflag:s11] =	ssyncset.done $0x0  }
0x13: {  	[sflag:s11] =	ssyncadd.s32 $0xFFFFDFE8  }
0x14: {  	[tilespmem:s3], [sflag:$0x2] =	stream.linear.gather [hbm4b:s7+s3], $0x27C0, $0x38;
	[tilespmem:$0x17800] =	vst v63  }
0x15: {  	_ =	swait.ge [sflag:s11], $0x27C0  }
0x16: {  	[sflag:s11] =	ssyncset.done $0x0  }
0x17: {  	[sflag:s11] =	ssyncadd.s32 $0xFFFFD840  }
0x18: {  	s18 =	simm.s32 $0x0;
	[bflag:$0x0] =	sbarrier.arrive $0xFFFF  }
0x19: {  	v0 =	vld [tilespmem:s18+$0x0];
	_ =	sdelay $0x4  }
0x1a: {  	v1 =	vshra.s32 v0, $0xE  }
0x1b: {  	v0 =	vand.u32 $0x3FFF, v0;
	[tilespmem:$0x27C0] =	vst v1  }
0x1c: {  	[tilespmem:$0x2880] =	vst v0  }
0x1d: {  	v0 =	vld [tilespmem:s18+$0x10];
	_ =	sdelay $0x4  }
0x1e: {  	v59 =	vshra.s32 v0, $0xE  }
0x1f: {  	v0 =	vand.u32 $0x3FFF, v0;
	[tilespmem:$0x27D0] =	vst v59  }
0x20: {  	[tilespmem:$0x2890] =	vst v0  }
0x21: {  	v0 =	vld [tilespmem:s18+$0x20];
	_ =	sdelay $0x4  }
0x22: {  	v60 =	vshra.s32 v0, $0xE  }
0x23: {  	v0 =	vand.u32 $0x3FFF, v0;
	[tilespmem:$0x27E0] =	vst v60  }
0x24: {  	[tilespmem:$0x28A0] =	vst v0  }
0x25: {  	v0 =	vld [tilespmem:s18+$0x30];
	_ =	sdelay $0x4  }
0x26: {  	v61 =	vshra.s32 v0, $0xE  }
0x27: {  	v0 =	vand.u32 $0x3FFF, v0;
	[tilespmem:$0x27F0] =	vst v61  }
0x28: {  	[tilespmem:$0x28B0] =	vst v0  }
0x29: {  	v0 =	vld [tilespmem:s18+$0x40];
	_ =	sdelay $0x4  }
0x2a: {  	v62 =	vshra.s32 v0, $0xE  }
0x2b: {  	v0 =	vand.u32 $0x3FFF, v0;
	[tilespmem:$0x2800] =	vst v62  }
0x2c: {  	[tilespmem:$0x28C0] =	vst v0  }
0x2d: {  	v0 =	vld [tilespmem:s18+$0x50];
	_ =	sdelay $0x4  }
0x2e: {  	v63 =	vshra.s32 v0, $0xE  }
0x2f: {  	v0 =	vand.u32 $0x3FFF, v0;
	[tilespmem:$0x2810] =	vst v63  }
0x30: {  	s18 =	simm.s32 $0x180;
	[tilespmem:$0x28D0] =	vst v0  }
0x31: {  	[tilespmem:s14], [sflag:$0x1] =	stream.indirect.gather [hbm4b:s4+s12], $0x68, s13, s12, $0xb8;
	[tilespmem:$0x17800] =	vst v63  }
.LBB2_2:
0x32: {  	p0 =	sne.s32 s18, $0x9D80  }
0x33: {  	_ =	swait.ge [sflag:s15], $0x2700;
	s19 =	smov.u32 s18;
	s18 =	sadd.s32 $0x180, s18  }
0x34: {  	[sflag:s15] =	ssyncset.done $0x0  }
0x35: {  	[sflag:s15] =	ssyncadd.s32 $0xFFFFD900  }
0x36: {  	[spmem:s2] =	stream.indirect.scatter.add.f32 [tilespmem:s14], [sflag:$0x2], $0x68, s16, s12, $0xb8;
	[tilespmem:$0x17800] =	vst v63  }
0x37: {  	_ =	swait.ge [sflag:s11], $0x2700  }
0x38: {  	[sflag:s11] =	ssyncset.done $0x0  }
0x39: {  	s19 =	sshra.s32 s19, $0x2;
	[sflag:s11] =	ssyncadd.s32 $0xFFFFD900  }
0x3a: {  	v0 =	vld [tilespmem:s19+$0x0];
	_ =	sdelay $0x4  }
0x3b: {  	v1 =	vshra.s32 v0, $0xE;
	v0 =	vand.u32 $0x3FFF, v0  }
0x3c: {  	[tilespmem:$0x27C0] =	vst v1  }
0x3d: {  	[tilespmem:$0x2880] =	vst v0  }
0x3e: {  	v0 =	vld [tilespmem:s19+$0x10];
	_ =	sdelay $0x4  }
0x3f: {  	v1 =	vshra.s32 v0, $0xE;
	v0 =	vand.u32 $0x3FFF, v0  }
0x40: {  	[tilespmem:$0x27D0] =	vst v1  }
0x41: {  	[tilespmem:$0x2890] =	vst v0  }
0x42: {  	v0 =	vld [tilespmem:s19+$0x20];
	_ =	sdelay $0x4  }
0x43: {  	v1 =	vshra.s32 v0, $0xE;
	v0 =	vand.u32 $0x3FFF, v0  }
0x44: {  	[tilespmem:$0x27E0] =	vst v1  }
0x45: {  	[tilespmem:$0x28A0] =	vst v0  }
0x46: {  	v0 =	vld [tilespmem:s19+$0x30];
	_ =	sdelay $0x4  }
0x47: {  	v1 =	vshra.s32 v0, $0xE;
	v0 =	vand.u32 $0x3FFF, v0  }
0x48: {  	[tilespmem:$0x27F0] =	vst v1  }
0x49: {  	[tilespmem:$0x28B0] =	vst v0  }
0x4a: {  	v0 =	vld [tilespmem:s19+$0x40];
	_ =	sdelay $0x4  }
0x4b: {  	v1 =	vshra.s32 v0, $0xE;
	v0 =	vand.u32 $0x3FFF, v0  }
0x4c: {  	[tilespmem:$0x2800] =	vst v1  }
0x4d: {  	[tilespmem:$0x28C0] =	vst v0  }
0x4e: {  	v0 =	vld [tilespmem:s19+$0x50];
	_ =	sdelay $0x3  }
.Ltmp0:
0x4f: {  	(pc) =	sbr.rel @p0 .LBB2_2-.Ltmp0, $4  }
0x50: {  	v1 =	vshra.s32 v0, $0xE;
	v0 =	vand.u32 $0x3FFF, v0  }
0x51: {  	[tilespmem:$0x2810] =	vst v1  }
0x52: {  	[tilespmem:$0x28D0] =	vst v0  }
0x53: {  	[tilespmem:s14], [sflag:$0x1] =	stream.indirect.gather [hbm4b:s4+s12], $0x68, s13, s12, $0xb8;
	[tilespmem:$0x17800] =	vst v63  }
0x54: {  	_ =	swait.ge [sflag:s15], $0x2700  }
0x55: {  	[sflag:s15] =	ssyncset.done $0x0  }
0x56: {  	[sflag:s15] =	ssyncadd.s32 $0xFFFFD900  }
0x57: {  	[spmem:s2] =	stream.indirect.scatter.add.f32 [tilespmem:s14], [sflag:$0x2], $0x68, s16, s12, $0xb8;
	[tilespmem:$0x17800] =	vst v63  }
0x58: {  	_ =	swait.ge [sflag:s11], $0x2700  }
0x59: {  	s17 =	sadd.s32 $0x1, s17;
	[sflag:s11] =	ssyncset.done $0x0  }
0x5a: {  	p0 =	sne.s32 s17, s9;
	[sflag:s11] =	ssyncadd.s32 $0xFFFFD900  }
.Ltmp1:
0x5b: {  	[bflag:$0x0] =	sbarrier.arrive $0xFFFF;
	(pc) =	sbr.rel @p0 .LBB2_1-.Ltmp1, $4  }
0x5c: {  	[hbm:s8], [sflag:s6] =	dma.local [spmem:s10], $0x2018  }
0x5d: {  	_ =	swait.ge [sflag:s11], $0x2018  }
0x5e: {  	[sflag:s11] =	ssyncset.done $0x0  }
0x5f: {  	[sflag:s11] =	ssyncadd.s32 $0xFFFFDFE8  }
0x60: {  	_ =	sfence.sel $0x180000  }
0x61: {  	[bflag:$0x0] =	sbarrier.arrive $0xFFFF  }
0x62: {  	p0 =	sne.s32 s1, $0x0;
	_ =	strace $0x90000047  }
0x63: {  	s0 =	sadd.s32 @!p0 $0x100000, s0;
	[bflag:$0x2] =	sbarrier.arrive $0xFFFF  }
0x64: {  	[sflag:s0] =	ssyncadd.tile.s32 @!p0 $0x1;
	_ =	shalt  }
.Lfunc_end2:
_tile_overlayer_lowered:
.L_overlay_start_2:
0x65: {  	(tag) =	ssettag $0x2  }
0x66: {  	s0 =	rddreg [dreg:$0x0];
	s2 =	stileid.u32  }
0x67: {  	s1 =	rddreg [dreg:$0x1];
	p0 =	sne.s32 s2, $0x0  }
0x68: {  	s3 =	rddreg [dreg:$0x2];
	[bflag:$0x3] =	sbarrier.arrive $0xFFFF;
	s2 =	simm.s32 @!p0 $0x1C02  }
0x69: {  	[timem:s3], [sflag:s2] =	dma.local @!p0 [hbm:s0], s1  }
0x6a: {  	s0 =	simm.s32 @!p0 $0x2  }
0x6b: {  	_ =	swait.ge @!p0 [sflag:s0], s1  }
0x6c: {  	s1 =	ssub.s32 @!p0 $0x0, s1;
	[sflag:s0] =	ssyncset.done @!p0 $0x0  }
0x6d: {  	[sflag:s0] =	ssyncadd.s32 @!p0 s1  }
0x6e: {  	[bflag:$0x3] =	sbarrier.arrive $0xFFFF  }
0x6f: {  	_ =	shalt  }

</sc_bundles>
